<compile_context>
chip_gen: v7x
topology: tpu7x:2x2x1
jax: 0.10.2.dev20260603
libtpu: 0.0.44.dev20260713+nightly
codegen_flags: <defaults>
</compile_context>

<pallas_src>
import functools
import jax
import jax.numpy as jnp
from jax import lax
from jax.experimental import pallas as pl
from jax.experimental.pallas import tpu as pltpu
from jax.experimental.pallas import tpu_sc as plsc

F32 = jnp.float32
BF16 = jnp.bfloat16
NW = 32
SUB = 40


def _silu(x):
    return x * jax.nn.sigmoid(x)


def _tc_prep(nfp, fcp, W1a, W1b, lat9, W1cp):
    NP, H = nfp.shape
    B = lat9.shape[0]
    BLK = 512
    WID = H + 32

    def body(nf_ref, fc_ref, wa_ref, wb_ref, l_ref, wc_ref,
             ts_ref, td_ref, lp_ref):
        nf = nf_ref[...]
        fc = fc_ref[...]
        ts_ref[:, :H] = jnp.dot(
            nf, wa_ref[...], preferred_element_type=F32).astype(BF16)
        ts_ref[:, H:] = (-fc).astype(BF16)
        td_ref[:, :H] = jnp.dot(
            nf, wb_ref[...], preferred_element_type=F32).astype(BF16)
        td_ref[:, H:] = fc.astype(BF16)
        l = l_ref[...]
        cols = []
        for i in range(3):
            for j in range(3):
                v = (l[:, 3 * i + 0:3 * i + 1] * l[:, 3 * j + 0:3 * j + 1]
                     + l[:, 3 * i + 1:3 * i + 2] * l[:, 3 * j + 1:3 * j + 2]
                     + l[:, 3 * i + 2:3 * i + 3] * l[:, 3 * j + 2:3 * j + 3])
                cols.append(v)
        cols.append(jnp.zeros_like(l[:, :7]))
        llt = jnp.concatenate(cols, axis=1)
        lp_ref[...] = jnp.dot(llt, wc_ref[...], preferred_element_type=F32)

    return pl.pallas_call(
        body,
        grid=(NP // BLK,),
        in_specs=[
            pl.BlockSpec((BLK, H), lambda i: (i, 0)),
            pl.BlockSpec((BLK, 32), lambda i: (i, 0)),
            pl.BlockSpec((H, H), lambda i: (0, 0)),
            pl.BlockSpec((H, H), lambda i: (0, 0)),
            pl.BlockSpec((B, 16), lambda i: (0, 0)),
            pl.BlockSpec((16, H), lambda i: (0, 0)),
        ],
        out_specs=[
            pl.BlockSpec((BLK, WID), lambda i: (i, 0)),
            pl.BlockSpec((BLK, WID), lambda i: (i, 0)),
            pl.BlockSpec((B, H), lambda i: (0, 0)),
        ],
        out_shape=[
            jax.ShapeDtypeStruct((NP, WID), BF16),
            jax.ShapeDtypeStruct((NP, WID), BF16),
            jax.ShapeDtypeStruct((B, H), F32),
        ],
    )(nfp, fcp, W1a, W1b, lat9, W1cp)


def _sc_gather(TS, TD, src2, dst2, E):
    W = TS.shape[1]
    EW = E // NW
    CH = EW // SUB
    mesh = plsc.VectorSubcoreMesh(core_axis_name="c", subcore_axis_name="s")

    H = 128

    @functools.partial(
        pl.kernel,
        mesh=mesh,
        out_type=(jax.ShapeDtypeStruct((E, H), BF16),
                  jax.ShapeDtypeStruct((E, 32), BF16)),
        compiler_params=pltpu.CompilerParams(use_tc_tiling_on_sc=False),
        scratch_types=[
            pltpu.VMEM((CH, SUB), jnp.int32),
            pltpu.VMEM((CH, SUB), jnp.int32),
            pltpu.VMEM((SUB, W), BF16),
            pltpu.VMEM((SUB, W), BF16),
            pltpu.VMEM((SUB, W), BF16),
            pltpu.VMEM((SUB, W), BF16),
            pltpu.VMEM((SUB, H), BF16),
            pltpu.VMEM((SUB, H), BF16),
            pltpu.VMEM((SUB, 32), BF16),
            pltpu.VMEM((SUB, 32), BF16),
            pltpu.SemaphoreType.DMA,
            pltpu.SemaphoreType.DMA,
            pltpu.SemaphoreType.DMA,
            pltpu.SemaphoreType.DMA,
            pltpu.SemaphoreType.DMA,
            pltpu.SemaphoreType.DMA,
            pltpu.SemaphoreType.DMA,
            pltpu.SemaphoreType.DMA,
        ],
    )
    def k(ts_hbm, td_hbm, src_hbm, dst_hbm, g0_hbm, d_hbm,
          idxs, idxd, bufa0, bufa1, bufb0, bufb1, gbuf0, gbuf1, dbuf0, dbuf1,
          la0, la1, lb0, lb1, sg0, sg1, sd0, sd1):
        cid = lax.axis_index("c")
        sid = lax.axis_index("s")
        w32 = cid * 16 + sid
        pltpu.sync_copy(src_hbm.at[w32], idxs)
        pltpu.sync_copy(dst_hbm.at[w32], idxd)

        bufa = (bufa0, bufa1)
        bufb = (bufb0, bufb1)
        gbuf = (gbuf0, gbuf1)
        dbuf = (dbuf0, dbuf1)
        la = (la0, la1)
        lb = (lb0, lb1)
        sg = (sg0, sg1)
        sd = (sd0, sd1)

        pltpu.async_copy(ts_hbm.at[idxs.at[0]], bufa0, la0)
        pltpu.async_copy(td_hbm.at[idxd.at[0]], bufb0, lb0)

        def pair(i, carry):
            for b in range(2):
                j = 2 * i + b
                o = 1 - b

                @pl.when(j + 1 < CH)
                def _():
                    pltpu.async_copy(ts_hbm.at[idxs.at[j + 1]], bufa[o], la[o])
                    pltpu.async_copy(td_hbm.at[idxd.at[j + 1]], bufb[o], lb[o])

                pltpu.make_async_copy(
                    ts_hbm.at[pl.ds(0, SUB)], bufa[b], la[b]).wait()
                pltpu.make_async_copy(
                    td_hbm.at[pl.ds(0, SUB)], bufb[b], lb[b]).wait()

                @pl.when(j >= 2)
                def _():
                    pltpu.make_async_copy(
                        g0_hbm.at[pl.ds(0, SUB)], gbuf[b], sg[b]).wait()
                    pltpu.make_async_copy(
                        d_hbm.at[pl.ds(0, SUB)], dbuf[b], sd[b]).wait()

                def radd(r, c2, _b=b):
                    for cc in range(H // 32):
                        sl = pl.ds(cc * 32, 32)
                        gbuf[_b][r, sl] = bufa[_b][r, sl] + bufb[_b][r, sl]
                    sl = pl.ds(H, 32)
                    dbuf[_b][r, :] = bufa[_b][r, sl] + bufb[_b][r, sl]
                    return c2

                lax.fori_loop(0, SUB, radd, 0)
                rows = pl.ds(w32 * EW + j * SUB, SUB)
                pltpu.async_copy(gbuf[b], g0_hbm.at[rows], sg[b])
                pltpu.async_copy(dbuf[b], d_hbm.at[rows], sd[b])
            return carry

        lax.fori_loop(0, CH // 2, pair, 0)
        for b in range(2):
            pltpu.make_async_copy(
                g0_hbm.at[pl.ds(0, SUB)], gbuf[b], sg[b]).wait()
            pltpu.make_async_copy(
                d_hbm.at[pl.ds(0, SUB)], dbuf[b], sd[b]).wait()

    return k(TS, TD, src2, dst2)


def _tc_edge(G0, D, e2g3, latp, Wfp, W2, b1r, b2r):
    E, H = G0.shape
    B = latp.shape[0]
    BLK = 512

    def body(g_ref, d_ref, id_ref, lp_ref, wf_ref, w2_ref, b1_ref, b2_ref,
             out_ref):
        g = g_ref[...].astype(F32)
        d = d_ref[...].astype(F32)
        fd = d - jnp.floor(d)
        ids = id_ref[0, 0, :]
        oh = (ids[:, None] == lax.broadcasted_iota(jnp.int32, (BLK, B), 1)
              ).astype(F32)
        pre = (g
               + jnp.dot(oh, lp_ref[...], preferred_element_type=F32)
               + jnp.dot(fd, wf_ref[...], preferred_element_type=F32)
               + b1_ref[...])
        e1 = _silu(pre)
        out_ref[...] = _silu(
            jnp.dot(e1, w2_ref[...], preferred_element_type=F32)
            + b2_ref[...])

    return pl.pallas_call(
        body,
        grid=(E // BLK,),
        in_specs=[
            pl.BlockSpec((BLK, H), lambda i: (i, 0)),
            pl.BlockSpec((BLK, 32), lambda i: (i, 0)),
            pl.BlockSpec((1, 1, BLK), lambda i: (i, 0, 0)),
            pl.BlockSpec((B, H), lambda i: (0, 0)),
            pl.BlockSpec((32, H), lambda i: (0, 0)),
            pl.BlockSpec((H, H), lambda i: (0, 0)),
            pl.BlockSpec((1, H), lambda i: (0, 0)),
            pl.BlockSpec((1, H), lambda i: (0, 0)),
        ],
        out_specs=pl.BlockSpec((BLK, H), lambda i: (i, 0)),
        out_shape=jax.ShapeDtypeStruct((E, H), F32),
    )(G0, D, e2g3, latp, Wfp, W2, b1r, b2r)


def _sc_scatter(e2, src2, N2, E):
    H = 128
    EW = E // NW
    CH = EW // SUB
    STRIPE = N2 // 16
    mesh = plsc.VectorSubcoreMesh(core_axis_name="c", subcore_axis_name="s")

    @functools.partial(
        pl.kernel,
        mesh=mesh,
        out_type=(jax.ShapeDtypeStruct((2, N2, H), F32),
                  jax.ShapeDtypeStruct((2, N2, 16), F32)),
        compiler_params=pltpu.CompilerParams(use_tc_tiling_on_sc=False),
        scratch_types=[
            pltpu.VMEM((CH, SUB), jnp.int32),
            pltpu.VMEM((SUB, H), F32),
            pltpu.VMEM((SUB, H), F32),
            pltpu.VMEM((SUB, 16), F32),
            pltpu.VMEM_SHARED((N2, H), F32),
            pltpu.VMEM_SHARED((N2, 16), F32),
            pltpu.SemaphoreType.DMA,
            pltpu.SemaphoreType.DMA,
            pltpu.SemaphoreType.DMA,
            pltpu.SemaphoreType.DMA,
            pltpu.SemaphoreType.DMA,
            pltpu.SemaphoreType.DMA,
        ],
    )
    def k(e2_hbm, src_hbm, sum_out, cnt_out,
          idxs, ebuf0, ebuf1, onesb, acc_sh, cnt_sh,
          le0, le1, ss0, ss1, sc0, sc1):
        cid = lax.axis_index("c")
        sid = lax.axis_index("s")
        w32 = cid * 16 + sid
        pltpu.sync_copy(src_hbm.at[w32], idxs)

        ebuf = (ebuf0, ebuf1)
        le = (le0, le1)
        ss = (ss0, ss1)
        sc = (sc0, sc1)

        def fz(r, c):
            for cc in range(H // 16):
                ebuf0[r, pl.ds(cc * 16, 16)] = jnp.zeros((16,), F32)
            onesb[r, :] = jnp.zeros((16,), F32)
            return c

        lax.fori_loop(0, SUB, fz, 0)

        def zc(t, c):
            pltpu.sync_copy(ebuf0,
                            acc_sh.at[pl.ds(sid * STRIPE + t * SUB, SUB)])
            pltpu.sync_copy(onesb,
                            cnt_sh.at[pl.ds(sid * STRIPE + t * SUB, SUB)])
            return c

        lax.fori_loop(0, STRIPE // SUB, zc, 0)

        def fo(r, c):
            onesb[r, :] = jnp.full((16,), 1.0, F32)
            return c

        lax.fori_loop(0, SUB, fo, 0)
        plsc.subcore_barrier()

        pltpu.async_copy(e2_hbm.at[pl.ds(w32 * EW, SUB)], ebuf0, le0)

        def pair(i, c):
            for b in range(2):
                j = 2 * i + b
                o = 1 - b

                @pl.when(j >= 1)
                def _():
                    pltpu.make_async_copy(
                        e2_hbm.at[pl.ds(0, SUB)], ebuf[o], ss[o]).wait()
                    pltpu.make_async_copy(
                        cnt_out.at[0, pl.ds(0, SUB)], onesb, sc[o]).wait()

                @pl.when(j + 1 < CH)
                def _():
                    pltpu.async_copy(
                        e2_hbm.at[pl.ds(w32 * EW + (j + 1) * SUB, SUB)],
                        ebuf[o], le[o])

                pltpu.make_async_copy(
                    e2_hbm.at[pl.ds(0, SUB)], ebuf[b], le[b]).wait()
                pltpu.async_copy(ebuf[b], acc_sh.at[idxs.at[j]], ss[b],
                                 add=True)
                pltpu.async_copy(onesb, cnt_sh.at[idxs.at[j]], sc[b],
                                 add=True)
            return c

        lax.fori_loop(0, CH // 2, pair, 0)
        pltpu.make_async_copy(e2_hbm.at[pl.ds(0, SUB)], ebuf1, ss1).wait()
        pltpu.make_async_copy(cnt_out.at[0, pl.ds(0, SUB)], onesb, sc1).wait()
        plsc.subcore_barrier()
        pltpu.sync_copy(acc_sh.at[pl.ds(sid * STRIPE, STRIPE)],
                        sum_out.at[cid, pl.ds(sid * STRIPE, STRIPE)])
        pltpu.sync_copy(cnt_sh.at[pl.ds(sid * STRIPE, STRIPE)],
                        cnt_out.at[cid, pl.ds(sid * STRIPE, STRIPE)])

    return k(e2, src2)


def _tc_node(nfp, p0, p1, c0, c1, Wn1a, Wn1b, Wn2, bn1r, bn2r):
    NP, H = nfp.shape
    BLK = 512

    def body(nf_ref, p0_ref, p1_ref, c0_ref, c1_ref,
             wa_ref, wb_ref, w2_ref, b1_ref, b2_ref, out_ref):
        nf = nf_ref[...]
        cnt = c0_ref[...][:, 0:1] + c1_ref[...][:, 0:1]
        agg = (p0_ref[...] + p1_ref[...]) / jnp.maximum(cnt, 1.0)
        h = (jnp.dot(nf, wa_ref[...], preferred_element_type=F32)
             + jnp.dot(agg, wb_ref[...], preferred_element_type=F32)
             + b1_ref[...])
        o = _silu(h)
        out_ref[...] = nf + _silu(
            jnp.dot(o, w2_ref[...], preferred_element_type=F32) + b2_ref[...])

    return pl.pallas_call(
        body,
        grid=(NP // BLK,),
        in_specs=[
            pl.BlockSpec((BLK, H), lambda i: (i, 0)),
            pl.BlockSpec((BLK, H), lambda i: (i, 0)),
            pl.BlockSpec((BLK, H), lambda i: (i, 0)),
            pl.BlockSpec((BLK, 16), lambda i: (i, 0)),
            pl.BlockSpec((BLK, 16), lambda i: (i, 0)),
            pl.BlockSpec((H, H), lambda i: (0, 0)),
            pl.BlockSpec((H, H), lambda i: (0, 0)),
            pl.BlockSpec((H, H), lambda i: (0, 0)),
            pl.BlockSpec((1, H), lambda i: (0, 0)),
            pl.BlockSpec((1, H), lambda i: (0, 0)),
        ],
        out_specs=pl.BlockSpec((BLK, H), lambda i: (i, 0)),
        out_shape=jax.ShapeDtypeStruct((NP, H), F32),
    )(nfp, p0, p1, c0, c1, Wn1a, Wn1b, Wn2, bn1r, bn2r)


def kernel(node_features, frac_coords, lattice_feats, edge_index, edge2graph,
           W_e1, b_e1, W_e2, b_e2, W_n1, b_n1, W_n2, b_n2):
    N, H = node_features.shape
    E = edge_index.shape[1]
    B = lattice_feats.shape[0]
    NP = ((N + 511) // 512) * 512

    nfp = jnp.pad(node_features, ((0, NP - N), (0, 0)))
    fcp = jnp.pad(frac_coords, ((0, NP - N), (0, 29)))
    W1a = W_e1[:H]
    W1b = W_e1[H:2 * H]
    W1cp = jnp.pad(W_e1[2 * H:2 * H + 9], ((0, 7), (0, 0)))
    Wfp = jnp.pad(W_e1[2 * H + 9:], ((0, 29), (0, 0)))
    lat9 = jnp.pad(lattice_feats.reshape(B, 9), ((0, 0), (0, 7)))

    TS, TD, latp = _tc_prep(nfp, fcp, W1a, W1b, lat9, W1cp)

    CH = E // NW // SUB
    src2 = edge_index[0].reshape(NW, CH, SUB)
    dst2 = edge_index[1].reshape(NW, CH, SUB)
    G0, D = _sc_gather(TS, TD, src2, dst2, E)

    e2g3 = edge2graph.reshape(E // 512, 1, 512)
    e2 = _tc_edge(G0, D, e2g3, latp, Wfp, W_e2,
                  b_e1.reshape(1, H), b_e2.reshape(1, H))

    sums, cnts = _sc_scatter(e2, src2, NP, E)

    out = _tc_node(nfp, sums[0], sums[1], cnts[0], cnts[1],
                   W_n1[:H], W_n1[H:], W_n2,
                   b_n1.reshape(1, H), b_n2.reshape(1, H))
    return out[:N]

# --- scband reference (transcript-rebuilt; emitter-appended) ---
"""Pipeline reference for scband-cspnet-28286654612217 (READ-ONLY COPY).

The authoritative reference and input builder live on the scoring server;
editing this copy changes nothing except your own understanding.
"""

import jax, jax.numpy as jnp
import numpy as np

N = 10000
E = 320000
B = 64
H = 128

def _lin(k, fi, fo):
    kw, kb = jax.random.split(k)
    w = jax.random.normal(kw, (fi, fo), dtype=jnp.float32) / np.sqrt(fi)
    b = jax.random.normal(kb, (fo,), dtype=jnp.float32) * 0.01
    return w, b

def setup_inputs(seed: int = 0):
    key = jax.random.key(seed)
    ks = jax.random.split(key, 10)
    node_features = jax.random.normal(ks[0], (N, H), dtype=jnp.float32)
    frac_coords = jax.random.uniform(ks[1], (N, 3), dtype=jnp.float32)
    lattice_feats = jax.random.normal(ks[2], (B, 3, 3), dtype=jnp.float32)
    edge_index = jax.random.randint(ks[3], (2, E), 0, N, dtype=jnp.int32)
    edge2graph = jnp.sort(jax.random.randint(ks[4], (E,), 0, B, dtype=jnp.int32))
    W_e1, b_e1 = _lin(ks[5], 2 * H + 9 + 3, H)
    W_e2, b_e2 = _lin(ks[6], H, H)
    W_n1, b_n1 = _lin(ks[7], 2 * H, H)
    W_n2, b_n2 = _lin(ks[8], H, H)
    return dict(node_features=node_features, frac_coords=frac_coords, lattice_feats=lattice_feats, edge_index=edge_index, edge2graph=edge2graph, W_e1=W_e1, b_e1=b_e1, W_e2=W_e2, b_e2=b_e2, W_n1=W_n1, b_n1=b_n1, W_n2=W_n2, b_n2=b_n2)

def _silu(x):
    return x * jax.nn.sigmoid(x)

def reference(node_features, frac_coords, lattice_feats, edge_index, edge2graph, W_e1, b_e1, W_e2, b_e2, W_n1, b_n1, W_n2, b_n2):
    # CSPLayer forward (dis_emb=None, ip=True, ln=False)
    src, dst = edge_index[0], edge_index[1]
    # edge_model
    hi = node_features[src]
    hj = node_features[dst]
    xi = frac_coords[src]
    xj = frac_coords[dst]
    frac_diff = (xj - xi) % 1.0
    lat = lattice_feats @ jnp.swapaxes(lattice_feats, -1, -2)  # ip=True: L @ L^T
    lat_flat = lat.reshape(-1, 9)
    lat_edges = lat_flat[edge2graph]
    edges_input = jnp.concatenate([hi, hj, lat_edges, frac_diff], axis=1)
    e = _silu(edges_input @ W_e1 + b_e1)
    e = _silu(e @ W_e2 + b_e2)
    # node_model: scatter-mean over source nodes (torch_scatter reduce='mean')
    n_nodes = node_features.shape[0]
    agg_sum = jax.ops.segment_sum(e, src, num_segments=n_nodes)
    cnt = jax.ops.segment_sum(jnp.ones((e.shape[0], 1), dtype=e.dtype), src, num_segments=n_nodes)
    agg = agg_sum / jnp.clip(cnt, 1.0, None)
    h = jnp.concatenate([node_features, agg], axis=1)
    out = _silu(h @ W_n1 + b_n1)
    out = _silu(out @ W_n2 + b_n2)
    return node_features + out

if __name__ == "__main__":
    import jax
    _d = setup_inputs()
    print(jax.jit(kernel)(*tuple(_d.values())))

</pallas_src>

<mosaic_0001>
#map = affine_map<(d0, d1) -> (0, 0)>
#map1 = affine_map<(d0, d1) -> (0, 0, 0)>
module attributes {stable_mosaic.version = 14 : i64} {
  func.func @k(%arg0: i32, %arg1: i32, %arg2: memref<10240x160xbf16, #tpu.memory_space<hbm>>, %arg3: memref<10240x160xbf16, #tpu.memory_space<hbm>>, %arg4: memref<32x250x40xi32, #tpu.memory_space<hbm>>, %arg5: memref<32x250x40xi32, #tpu.memory_space<hbm>>, %arg6: memref<320000x128xbf16, #tpu.memory_space<hbm>>, %arg7: memref<320000x32xbf16, #tpu.memory_space<hbm>>, %arg8: memref<250x40xi32, #tpu.memory_space<vmem>>, %arg9: memref<250x40xi32, #tpu.memory_space<vmem>>, %arg10: memref<40x160xbf16, #tpu.memory_space<vmem>>, %arg11: memref<40x160xbf16, #tpu.memory_space<vmem>>, %arg12: memref<40x160xbf16, #tpu.memory_space<vmem>>, %arg13: memref<40x160xbf16, #tpu.memory_space<vmem>>, %arg14: memref<40x128xbf16, #tpu.memory_space<vmem>>, %arg15: memref<40x128xbf16, #tpu.memory_space<vmem>>, %arg16: memref<40x32xbf16, #tpu.memory_space<vmem>>, %arg17: memref<40x32xbf16, #tpu.memory_space<vmem>>, %arg18: memref<!tpu.dma_semaphore, #tpu.memory_space<semaphore_mem>>, %arg19: memref<!tpu.dma_semaphore, #tpu.memory_space<semaphore_mem>>, %arg20: memref<!tpu.dma_semaphore, #tpu.memory_space<semaphore_mem>>, %arg21: memref<!tpu.dma_semaphore, #tpu.memory_space<semaphore_mem>>, %arg22: memref<!tpu.dma_semaphore, #tpu.memory_space<semaphore_mem>>, %arg23: memref<!tpu.dma_semaphore, #tpu.memory_space<semaphore_mem>>, %arg24: memref<!tpu.dma_semaphore, #tpu.memory_space<semaphore_mem>>, %arg25: memref<!tpu.dma_semaphore, #tpu.memory_space<semaphore_mem>>) attributes {dimension_semantics = [#tpu.dimension_semantics<core_parallel>, #tpu.dimension_semantics<subcore_parallel>], iteration_bounds = array<i64: 2, 16>, scalar_prefetch = 0 : i64, scratch_operands = 18 : i64, tpu.core_type = #tpu.core_type<sc_vector_subcore>, window_params = [{transform_indices = #map}, {transform_indices = #map}, {transform_indices = #map1}, {transform_indices = #map1}, {transform_indices = #map}, {transform_indices = #map}]} {
    %mul3A = arith.constant 16 : i32
    %mul3A_0 = arith.muli %arg0, %mul3A : i32
    %add3A = arith.addi %mul3A_0, %arg1 : i32
    "tpu.region"() ({
      %run_scoped3A = tpu.sem_alloc : memref<!tpu.dma_semaphore, #tpu.memory_space<semaphore_mem>>
      %dma_start3A_42 = arith.constant 0 : i32
      %dma_start3A_43 = arith.constant 0 : i32
      %dma_start3A_44 = tpu.memref_slice %arg4[%add3A, %dma_start3A_42, %dma_start3A_43] : memref<32x250x40xi32, #tpu.memory_space<hbm>> -> memref<1x250x40xi32, #tpu.memory_space<hbm>>
      %dma_start3A_45 = tpu.memref_squeeze %dma_start3A_44 : memref<1x250x40xi32, #tpu.memory_space<hbm>> -> memref<250x40xi32, #tpu.memory_space<hbm>>
      %dma_start3A_46 = arith.constant 0 : i32
      %dma_start3A_47 = arith.constant 0 : i32
      %dma_start3A_48 = tpu.memref_slice %arg4[%add3A, %dma_start3A_46, %dma_start3A_47] : memref<32x250x40xi32, #tpu.memory_space<hbm>> -> memref<1x250x40xi32, #tpu.memory_space<hbm>>
      %dma_start3A_49 = tpu.memref_squeeze %dma_start3A_48 : memref<1x250x40xi32, #tpu.memory_space<hbm>> -> memref<250x40xi32, #tpu.memory_space<hbm>>
      tpu.enqueue_dma source(%dma_start3A_49 : memref<250x40xi32, #tpu.memory_space<hbm>>) target(%arg8 : memref<250x40xi32, #tpu.memory_space<vmem>>) target_semaphore(%run_scoped3A : memref<!tpu.dma_semaphore, #tpu.memory_space<semaphore_mem>>)
      %dma_wait3A_50 = arith.constant 0 : i32
      %dma_wait3A_51 = arith.constant 0 : i32
      %dma_wait3A_52 = tpu.memref_slice %arg4[%add3A, %dma_wait3A_50, %dma_wait3A_51] : memref<32x250x40xi32, #tpu.memory_space<hbm>> -> memref<1x250x40xi32, #tpu.memory_space<hbm>>
      %dma_wait3A_53 = tpu.memref_squeeze %dma_wait3A_52 : memref<1x250x40xi32, #tpu.memory_space<hbm>> -> memref<250x40xi32, #tpu.memory_space<hbm>>
      %dma_wait3A_54 = arith.constant 0 : i32
      %dma_wait3A_55 = arith.constant 0 : i32
      %dma_wait3A_56 = tpu.memref_slice %arg4[%add3A, %dma_wait3A_54, %dma_wait3A_55] : memref<32x250x40xi32, #tpu.memory_space<hbm>> -> memref<1x250x40xi32, #tpu.memory_space<hbm>>
      %dma_wait3A_57 = tpu.memref_squeeze %dma_wait3A_56 : memref<1x250x40xi32, #tpu.memory_space<hbm>> -> memref<250x40xi32, #tpu.memory_space<hbm>>
      tpu.wait_dma2 semaphore(%run_scoped3A : memref<!tpu.dma_semaphore, #tpu.memory_space<semaphore_mem>>) src(%dma_wait3A_57 : memref<250x40xi32, #tpu.memory_space<hbm>>) dst(%arg8 : memref<250x40xi32, #tpu.memory_space<vmem>>)
      tpu.yield
    }) : () -> ()
    "tpu.region"() ({
      %run_scoped3A = tpu.sem_alloc : memref<!tpu.dma_semaphore, #tpu.memory_space<semaphore_mem>>
      %dma_start3A_42 = arith.constant 0 : i32
      %dma_start3A_43 = arith.constant 0 : i32
      %dma_start3A_44 = tpu.memref_slice %arg5[%add3A, %dma_start3A_42, %dma_start3A_43] : memref<32x250x40xi32, #tpu.memory_space<hbm>> -> memref<1x250x40xi32, #tpu.memory_space<hbm>>
      %dma_start3A_45 = tpu.memref_squeeze %dma_start3A_44 : memref<1x250x40xi32, #tpu.memory_space<hbm>> -> memref<250x40xi32, #tpu.memory_space<hbm>>
      %dma_start3A_46 = arith.constant 0 : i32
      %dma_start3A_47 = arith.constant 0 : i32
      %dma_start3A_48 = tpu.memref_slice %arg5[%add3A, %dma_start3A_46, %dma_start3A_47] : memref<32x250x40xi32, #tpu.memory_space<hbm>> -> memref<1x250x40xi32, #tpu.memory_space<hbm>>
      %dma_start3A_49 = tpu.memref_squeeze %dma_start3A_48 : memref<1x250x40xi32, #tpu.memory_space<hbm>> -> memref<250x40xi32, #tpu.memory_space<hbm>>
      tpu.enqueue_dma source(%dma_start3A_49 : memref<250x40xi32, #tpu.memory_space<hbm>>) target(%arg9 : memref<250x40xi32, #tpu.memory_space<vmem>>) target_semaphore(%run_scoped3A : memref<!tpu.dma_semaphore, #tpu.memory_space<semaphore_mem>>)
      %dma_wait3A_50 = arith.constant 0 : i32
      %dma_wait3A_51 = arith.constant 0 : i32
      %dma_wait3A_52 = tpu.memref_slice %arg5[%add3A, %dma_wait3A_50, %dma_wait3A_51] : memref<32x250x40xi32, #tpu.memory_space<hbm>> -> memref<1x250x40xi32, #tpu.memory_space<hbm>>
      %dma_wait3A_53 = tpu.memref_squeeze %dma_wait3A_52 : memref<1x250x40xi32, #tpu.memory_space<hbm>> -> memref<250x40xi32, #tpu.memory_space<hbm>>
      %dma_wait3A_54 = arith.constant 0 : i32
      %dma_wait3A_55 = arith.constant 0 : i32
      %dma_wait3A_56 = tpu.memref_slice %arg5[%add3A, %dma_wait3A_54, %dma_wait3A_55] : memref<32x250x40xi32, #tpu.memory_space<hbm>> -> memref<1x250x40xi32, #tpu.memory_space<hbm>>
      %dma_wait3A_57 = tpu.memref_squeeze %dma_wait3A_56 : memref<1x250x40xi32, #tpu.memory_space<hbm>> -> memref<250x40xi32, #tpu.memory_space<hbm>>
      tpu.wait_dma2 semaphore(%run_scoped3A : memref<!tpu.dma_semaphore, #tpu.memory_space<semaphore_mem>>) src(%dma_wait3A_57 : memref<250x40xi32, #tpu.memory_space<hbm>>) dst(%arg9 : memref<250x40xi32, #tpu.memory_space<vmem>>)
      tpu.yield
    }) : () -> ()
    %dma_start3A = arith.constant 0 : i32
    %dma_start3A_1 = arith.constant 0 : i32
    %dma_start3A_2 = tpu.memref_slice %arg8[%dma_start3A, %dma_start3A_1] : memref<250x40xi32, #tpu.memory_space<vmem>> -> memref<1x40xi32, #tpu.memory_space<vmem>>
    %dma_start3A_3 = tpu.memref_squeeze %dma_start3A_2 : memref<1x40xi32, #tpu.memory_space<vmem>> -> memref<40xi32, #tpu.memory_space<vmem>>
    %dma_start3A_4 = arith.constant 0 : i32
    %dma_start3A_5 = arith.constant 0 : i32
    %dma_start3A_6 = tpu.memref_slice %arg2[%dma_start3A_4, %dma_start3A_5] : memref<10240x160xbf16, #tpu.memory_space<hbm>> -> memref<10240x160xbf16, #tpu.memory_space<hbm>>
    tpu.enqueue_indirect_dma source(%dma_start3A_6 : memref<10240x160xbf16, #tpu.memory_space<hbm>>) target(%arg10 : memref<40x160xbf16, #tpu.memory_space<vmem>>) offsets(%dma_start3A_3 : memref<40xi32, #tpu.memory_space<vmem>>) semaphore(%arg18 : memref<!tpu.dma_semaphore, #tpu.memory_space<semaphore_mem>>)
    %dma_start3A_7 = arith.constant 0 : i32
    %dma_start3A_8 = arith.constant 0 : i32
    %dma_start3A_9 = tpu.memref_slice %arg9[%dma_start3A_7, %dma_start3A_8] : memref<250x40xi32, #tpu.memory_space<vmem>> -> memref<1x40xi32, #tpu.memory_space<vmem>>
    %dma_start3A_10 = tpu.memref_squeeze %dma_start3A_9 : memref<1x40xi32, #tpu.memory_space<vmem>> -> memref<40xi32, #tpu.memory_space<vmem>>
    %dma_start3A_11 = arith.constant 0 : i32
    %dma_start3A_12 = arith.constant 0 : i32
    %dma_start3A_13 = tpu.memref_slice %arg3[%dma_start3A_11, %dma_start3A_12] : memref<10240x160xbf16, #tpu.memory_space<hbm>> -> memref<10240x160xbf16, #tpu.memory_space<hbm>>
    tpu.enqueue_indirect_dma source(%dma_start3A_13 : memref<10240x160xbf16, #tpu.memory_space<hbm>>) target(%arg12 : memref<40x160xbf16, #tpu.memory_space<vmem>>) offsets(%dma_start3A_10 : memref<40xi32, #tpu.memory_space<vmem>>) semaphore(%arg20 : memref<!tpu.dma_semaphore, #tpu.memory_space<semaphore_mem>>)
    %scan3A = arith.constant 0 : i32
    %scan3A_14 = arith.constant 0 : i32
    %scan3A_15 = arith.constant 125 : i32
    %scan3A_16 = arith.addi %scan3A_14, %scan3A_15 : i32
    %scan3A_17 = arith.constant 1 : i32
    scf.for %scan3A_42 = %scan3A_14 to %scan3A_16 step %scan3A_17  : i32 {
      %mul3A_43 = arith.constant 2 : i32
      %mul3A_44 = arith.muli %mul3A_43, %scan3A_42 : i32
      %add3A_45 = arith.constant 0 : i32
      %add3A_46 = arith.addi %mul3A_44, %add3A_45 : i32
      %add3A_47 = arith.constant 1 : i32
      %add3A_48 = arith.addi %add3A_46, %add3A_47 : i32
      %lt3A = arith.constant 250 : i32
      %lt3A_49 = arith.cmpi slt, %add3A_48, %lt3A : i32
      %convert_element_type3A = arith.extui %lt3A_49 : i1 to i32
      %cond3A = arith.constant 0 : i32
      %cond3A_50 = arith.cmpi ne, %convert_element_type3A, %cond3A : i32
      scf.if %cond3A_50 {
        %add3A_133 = arith.constant 1 : i32
        %add3A_134 = arith.addi %add3A_46, %add3A_133 : i32
        %dma_start3A_135 = arith.constant 0 : i32
        %dma_start3A_136 = tpu.memref_slice %arg8[%add3A_134, %dma_start3A_135] : memref<250x40xi32, #tpu.memory_space<vmem>> -> memref<1x40xi32, #tpu.memory_space<vmem>>
        %dma_start3A_137 = tpu.memref_squeeze %dma_start3A_136 : memref<1x40xi32, #tpu.memory_space<vmem>> -> memref<40xi32, #tpu.memory_space<vmem>>
        %dma_start3A_138 = arith.constant 0 : i32
        %dma_start3A_139 = arith.constant 0 : i32
        %dma_start3A_140 = tpu.memref_slice %arg2[%dma_start3A_138, %dma_start3A_139] : memref<10240x160xbf16, #tpu.memory_space<hbm>> -> memref<10240x160xbf16, #tpu.memory_space<hbm>>
        tpu.enqueue_indirect_dma source(%dma_start3A_140 : memref<10240x160xbf16, #tpu.memory_space<hbm>>) target(%arg11 : memref<40x160xbf16, #tpu.memory_space<vmem>>) offsets(%dma_start3A_137 : memref<40xi32, #tpu.memory_space<vmem>>) semaphore(%arg19 : memref<!tpu.dma_semaphore, #tpu.memory_space<semaphore_mem>>)
        %add3A_141 = arith.constant 1 : i32
        %add3A_142 = arith.addi %add3A_46, %add3A_141 : i32
        %dma_start3A_143 = arith.constant 0 : i32
        %dma_start3A_144 = tpu.memref_slice %arg9[%add3A_142, %dma_start3A_143] : memref<250x40xi32, #tpu.memory_space<vmem>> -> memref<1x40xi32, #tpu.memory_space<vmem>>
        %dma_start3A_145 = tpu.memref_squeeze %dma_start3A_144 : memref<1x40xi32, #tpu.memory_space<vmem>> -> memref<40xi32, #tpu.memory_space<vmem>>
        %dma_start3A_146 = arith.constant 0 : i32
        %dma_start3A_147 = arith.constant 0 : i32
        %dma_start3A_148 = tpu.memref_slice %arg3[%dma_start3A_146, %dma_start3A_147] : memref<10240x160xbf16, #tpu.memory_space<hbm>> -> memref<10240x160xbf16, #tpu.memory_space<hbm>>
        tpu.enqueue_indirect_dma source(%dma_start3A_148 : memref<10240x160xbf16, #tpu.memory_space<hbm>>) target(%arg13 : memref<40x160xbf16, #tpu.memory_space<vmem>>) offsets(%dma_start3A_145 : memref<40xi32, #tpu.memory_space<vmem>>) semaphore(%arg21 : memref<!tpu.dma_semaphore, #tpu.memory_space<semaphore_mem>>)
      } else {
      }
      %dma_wait3A_51 = arith.constant 0 : i32
      %dma_wait3A_52 = arith.constant 0 : i32
      %dma_wait3A_53 = tpu.memref_slice %arg2[%dma_wait3A_51, %dma_wait3A_52] : memref<10240x160xbf16, #tpu.memory_space<hbm>> -> memref<40x160xbf16, #tpu.memory_space<hbm>>
      %dma_wait3A_54 = arith.constant 0 : i32
      %dma_wait3A_55 = arith.constant 0 : i32
      %dma_wait3A_56 = tpu.memref_slice %arg2[%dma_wait3A_54, %dma_wait3A_55] : memref<10240x160xbf16, #tpu.memory_space<hbm>> -> memref<40x160xbf16, #tpu.memory_space<hbm>>
      tpu.wait_dma2 semaphore(%arg18 : memref<!tpu.dma_semaphore, #tpu.memory_space<semaphore_mem>>) src(%dma_wait3A_56 : memref<40x160xbf16, #tpu.memory_space<hbm>>) dst(%arg10 : memref<40x160xbf16, #tpu.memory_space<vmem>>)
      %dma_wait3A_57 = arith.constant 0 : i32
      %dma_wait3A_58 = arith.constant 0 : i32
      %dma_wait3A_59 = tpu.memref_slice %arg3[%dma_wait3A_57, %dma_wait3A_58] : memref<10240x160xbf16, #tpu.memory_space<hbm>> -> memref<40x160xbf16, #tpu.memory_space<hbm>>
      %dma_wait3A_60 = arith.constant 0 : i32
      %dma_wait3A_61 = arith.constant 0 : i32
      %dma_wait3A_62 = tpu.memref_slice %arg3[%dma_wait3A_60, %dma_wait3A_61] : memref<10240x160xbf16, #tpu.memory_space<hbm>> -> memref<40x160xbf16, #tpu.memory_space<hbm>>
      tpu.wait_dma2 semaphore(%arg20 : memref<!tpu.dma_semaphore, #tpu.memory_space<semaphore_mem>>) src(%dma_wait3A_62 : memref<40x160xbf16, #tpu.memory_space<hbm>>) dst(%arg12 : memref<40x160xbf16, #tpu.memory_space<vmem>>)
      %ge3A = arith.constant 2 : i32
      %ge3A_63 = arith.cmpi sge, %add3A_46, %ge3A : i32
      %convert_element_type3A_64 = arith.extui %ge3A_63 : i1 to i32
      %cond3A_65 = arith.constant 0 : i32
      %cond3A_66 = arith.cmpi ne, %convert_element_type3A_64, %cond3A_65 : i32
      scf.if %cond3A_66 {
        %dma_wait3A_133 = arith.constant 0 : i32
        %dma_wait3A_134 = arith.constant 0 : i32
        %dma_wait3A_135 = tpu.memref_slice %arg6[%dma_wait3A_133, %dma_wait3A_134] : memref<320000x128xbf16, #tpu.memory_space<hbm>> -> memref<40x128xbf16, #tpu.memory_space<hbm>>
        %dma_wait3A_136 = arith.constant 0 : i32
        %dma_wait3A_137 = arith.constant 0 : i32
        %dma_wait3A_138 = tpu.memref_slice %arg6[%dma_wait3A_136, %dma_wait3A_137] : memref<320000x128xbf16, #tpu.memory_space<hbm>> -> memref<40x128xbf16, #tpu.memory_space<hbm>>
        tpu.wait_dma2 semaphore(%arg22 : memref<!tpu.dma_semaphore, #tpu.memory_space<semaphore_mem>>) src(%dma_wait3A_138 : memref<40x128xbf16, #tpu.memory_space<hbm>>) dst(%arg14 : memref<40x128xbf16, #tpu.memory_space<vmem>>)
        %dma_wait3A_139 = arith.constant 0 : i32
        %dma_wait3A_140 = arith.constant 0 : i32
        %dma_wait3A_141 = tpu.memref_slice %arg7[%dma_wait3A_139, %dma_wait3A_140] : memref<320000x32xbf16, #tpu.memory_space<hbm>> -> memref<40x32xbf16, #tpu.memory_space<hbm>>
        %dma_wait3A_142 = arith.constant 0 : i32
        %dma_wait3A_143 = arith.constant 0 : i32
        %dma_wait3A_144 = tpu.memref_slice %arg7[%dma_wait3A_142, %dma_wait3A_143] : memref<320000x32xbf16, #tpu.memory_space<hbm>> -> memref<40x32xbf16, #tpu.memory_space<hbm>>
        tpu.wait_dma2 semaphore(%arg24 : memref<!tpu.dma_semaphore, #tpu.memory_space<semaphore_mem>>) src(%dma_wait3A_144 : memref<40x32xbf16, #tpu.memory_space<hbm>>) dst(%arg16 : memref<40x32xbf16, #tpu.memory_space<vmem>>)
      } else {
      }
      %scan3A_67 = arith.constant 0 : i32
      %scan3A_68 = arith.constant 0 : i32
      %scan3A_69 = arith.constant 40 : i32
      %scan3A_70 = arith.addi %scan3A_68, %scan3A_69 : i32
      %scan3A_71 = arith.constant 1 : i32
      scf.for %scan3A_133 = %scan3A_68 to %scan3A_70 step %scan3A_71  : i32 {
        %get3A = arith.index_cast %scan3A_133 : i32 to index
        %get3A_134 = arith.constant 0 : index
        %get3A_135 = tpu.vector_load %arg10[%get3A, %get3A_134] {strides = array<i32>} : memref<40x160xbf16, #tpu.memory_space<vmem>>, vector<1x32xbf16>,
        %get3A_136 = vector.shape_cast %get3A_135 : vector<1x32xbf16> to vector<32xbf16>
        %get3A_137 = arith.index_cast %scan3A_133 : i32 to index
        %get3A_138 = arith.constant 0 : index
        %get3A_139 = tpu.vector_load %arg12[%get3A_137, %get3A_138] {strides = array<i32>} : memref<40x160xbf16, #tpu.memory_space<vmem>>, vector<1x32xbf16>,
        %get3A_140 = vector.shape_cast %get3A_139 : vector<1x32xbf16> to vector<32xbf16>
        %add3A_141 = arith.addf %get3A_136, %get3A_140 : vector<32xbf16>
        %swap3A = arith.index_cast %scan3A_133 : i32 to index
        %swap3A_142 = arith.constant 0 : index
        %swap3A_143 = tpu.vector_load %arg14[%swap3A, %swap3A_142] {strides = array<i32>} : memref<40x128xbf16, #tpu.memory_space<vmem>>, vector<1x32xbf16>,
        %swap3A_144 = vector.shape_cast %swap3A_143 : vector<1x32xbf16> to vector<32xbf16>
        %swap3A_145 = vector.shape_cast %add3A_141 : vector<32xbf16> to vector<1x32xbf16>
        tpu.vector_store %arg14[%swap3A, %swap3A_142], %swap3A_145 {strides = array<i32>} : memref<40x128xbf16, #tpu.memory_space<vmem>>, vector<1x32xbf16>,
        %get3A_146 = arith.index_cast %scan3A_133 : i32 to index
        %get3A_147 = arith.constant 32 : index
        %get3A_148 = tpu.vector_load %arg10[%get3A_146, %get3A_147] {strides = array<i32>} : memref<40x160xbf16, #tpu.memory_space<vmem>>, vector<1x32xbf16>,
        %get3A_149 = vector.shape_cast %get3A_148 : vector<1x32xbf16> to vector<32xbf16>
        %get3A_150 = arith.index_cast %scan3A_133 : i32 to index
        %get3A_151 = arith.constant 32 : index
        %get3A_152 = tpu.vector_load %arg12[%get3A_150, %get3A_151] {strides = array<i32>} : memref<40x160xbf16, #tpu.memory_space<vmem>>, vector<1x32xbf16>,
        %get3A_153 = vector.shape_cast %get3A_152 : vector<1x32xbf16> to vector<32xbf16>
        %add3A_154 = arith.addf %get3A_149, %get3A_153 : vector<32xbf16>
        %swap3A_155 = arith.index_cast %scan3A_133 : i32 to index
        %swap3A_156 = arith.constant 32 : index
        %swap3A_157 = tpu.vector_load %arg14[%swap3A_155, %swap3A_156] {strides = array<i32>} : memref<40x128xbf16, #tpu.memory_space<vmem>>, vector<1x32xbf16>,
        %swap3A_158 = vector.shape_cast %swap3A_157 : vector<1x32xbf16> to vector<32xbf16>
        %swap3A_159 = vector.shape_cast %add3A_154 : vector<32xbf16> to vector<1x32xbf16>
        tpu.vector_store %arg14[%swap3A_155, %swap3A_156], %swap3A_159 {strides = array<i32>} : memref<40x128xbf16, #tpu.memory_space<vmem>>, vector<1x32xbf16>,
        %get3A_160 = arith.index_cast %scan3A_133 : i32 to index
        %get3A_161 = arith.constant 64 : index
        %get3A_162 = tpu.vector_load %arg10[%get3A_160, %get3A_161] {strides = array<i32>} : memref<40x160xbf16, #tpu.memory_space<vmem>>, vector<1x32xbf16>,
        %get3A_163 = vector.shape_cast %get3A_162 : vector<1x32xbf16> to vector<32xbf16>
        %get3A_164 = arith.index_cast %scan3A_133 : i32 to index
        %get3A_165 = arith.constant 64 : index
        %get3A_166 = tpu.vector_load %arg12[%get3A_164, %get3A_165] {strides = array<i32>} : memref<40x160xbf16, #tpu.memory_space<vmem>>, vector<1x32xbf16>,
        %get3A_167 = vector.shape_cast %get3A_166 : vector<1x32xbf16> to vector<32xbf16>
        %add3A_168 = arith.addf %get3A_163, %get3A_167 : vector<32xbf16>
        %swap3A_169 = arith.index_cast %scan3A_133 : i32 to index
        %swap3A_170 = arith.constant 64 : index
        %swap3A_171 = tpu.vector_load %arg14[%swap3A_169, %swap3A_170] {strides = array<i32>} : memref<40x128xbf16, #tpu.memory_space<vmem>>, vector<1x32xbf16>,
        %swap3A_172 = vector.shape_cast %swap3A_171 : vector<1x32xbf16> to vector<32xbf16>
        %swap3A_173 = vector.shape_cast %add3A_168 : vector<32xbf16> to vector<1x32xbf16>
        tpu.vector_store %arg14[%swap3A_169, %swap3A_170], %swap3A_173 {strides = array<i32>} : memref<40x128xbf16, #tpu.memory_space<vmem>>, vector<1x32xbf16>,
        %get3A_174 = arith.index_cast %scan3A_133 : i32 to index
        %get3A_175 = arith.constant 96 : index
        %get3A_176 = tpu.vector_load %arg10[%get3A_174, %get3A_175] {strides = array<i32>} : memref<40x160xbf16, #tpu.memory_space<vmem>>, vector<1x32xbf16>,
        %get3A_177 = vector.shape_cast %get3A_176 : vector<1x32xbf16> to vector<32xbf16>
        %get3A_178 = arith.index_cast %scan3A_133 : i32 to index
        %get3A_179 = arith.constant 96 : index
        %get3A_180 = tpu.vector_load %arg12[%get3A_178, %get3A_179] {strides = array<i32>} : memref<40x160xbf16, #tpu.memory_space<vmem>>, vector<1x32xbf16>,
        %get3A_181 = vector.shape_cast %get3A_180 : vector<1x32xbf16> to vector<32xbf16>
        %add3A_182 = arith.addf %get3A_177, %get3A_181 : vector<32xbf16>
        %swap3A_183 = arith.index_cast %scan3A_133 : i32 to index
        %swap3A_184 = arith.constant 96 : index
        %swap3A_185 = tpu.vector_load %arg14[%swap3A_183, %swap3A_184] {strides = array<i32>} : memref<40x128xbf16, #tpu.memory_space<vmem>>, vector<1x32xbf16>,
        %swap3A_186 = vector.shape_cast %swap3A_185 : vector<1x32xbf16> to vector<32xbf16>
        %swap3A_187 = vector.shape_cast %add3A_182 : vector<32xbf16> to vector<1x32xbf16>
        tpu.vector_store %arg14[%swap3A_183, %swap3A_184], %swap3A_187 {strides = array<i32>} : memref<40x128xbf16, #tpu.memory_space<vmem>>, vector<1x32xbf16>,
        %get3A_188 = arith.index_cast %scan3A_133 : i32 to index
        %get3A_189 = arith.constant 128 : index
        %get3A_190 = tpu.vector_load %arg10[%get3A_188, %get3A_189] {strides = array<i32>} : memref<40x160xbf16, #tpu.memory_space<vmem>>, vector<1x32xbf16>,
        %get3A_191 = vector.shape_cast %get3A_190 : vector<1x32xbf16> to vector<32xbf16>
        %get3A_192 = arith.index_cast %scan3A_133 : i32 to index
        %get3A_193 = arith.constant 128 : index
        %get3A_194 = tpu.vector_load %arg12[%get3A_192, %get3A_193] {strides = array<i32>} : memref<40x160xbf16, #tpu.memory_space<vmem>>, vector<1x32xbf16>,
        %get3A_195 = vector.shape_cast %get3A_194 : vector<1x32xbf16> to vector<32xbf16>
        %add3A_196 = arith.addf %get3A_191, %get3A_195 : vector<32xbf16>
        %swap3A_197 = arith.index_cast %scan3A_133 : i32 to index
        %swap3A_198 = arith.constant 0 : index
        %swap3A_199 = tpu.vector_load %arg16[%swap3A_197, %swap3A_198] {strides = array<i32>} : memref<40x32xbf16, #tpu.memory_space<vmem>>, vector<1x32xbf16>,
        %swap3A_200 = vector.shape_cast %swap3A_199 : vector<1x32xbf16> to vector<32xbf16>
        %swap3A_201 = vector.shape_cast %add3A_196 : vector<32xbf16> to vector<1x32xbf16>
        tpu.vector_store %arg16[%swap3A_197, %swap3A_198], %swap3A_201 {strides = array<i32>} : memref<40x32xbf16, #tpu.memory_space<vmem>>, vector<1x32xbf16>,
      }
      %scan3A_72 = arith.constant 40 : i32
      %mul3A_73 = arith.constant 10000 : i32
      %mul3A_74 = arith.muli %add3A, %mul3A_73 : i32
      %mul3A_75 = arith.constant 40 : i32
      %mul3A_76 = arith.muli %add3A_46, %mul3A_75 : i32
      %add3A_77 = arith.addi %mul3A_74, %mul3A_76 : i32
      %dma_start3A_78 = arith.constant 0 : i32
      %dma_start3A_79 = tpu.memref_slice %arg6[%add3A_77, %dma_start3A_78] : memref<320000x128xbf16, #tpu.memory_space<hbm>> -> memref<40x128xbf16, #tpu.memory_space<hbm>>
      %dma_start3A_80 = arith.constant 0 : i32
      %dma_start3A_81 = tpu.memref_slice %arg6[%add3A_77, %dma_start3A_80] : memref<320000x128xbf16, #tpu.memory_space<hbm>> -> memref<40x128xbf16, #tpu.memory_space<hbm>>
      tpu.enqueue_dma source(%arg14 : memref<40x128xbf16, #tpu.memory_space<vmem>>) target(%dma_start3A_81 : memref<40x128xbf16, #tpu.memory_space<hbm>>) target_semaphore(%arg22 : memref<!tpu.dma_semaphore, #tpu.memory_space<semaphore_mem>>)
      %dma_start3A_82 = arith.constant 0 : i32
      %dma_start3A_83 = tpu.memref_slice %arg7[%add3A_77, %dma_start3A_82] : memref<320000x32xbf16, #tpu.memory_space<hbm>> -> memref<40x32xbf16, #tpu.memory_space<hbm>>
      %dma_start3A_84 = arith.constant 0 : i32
      %dma_start3A_85 = tpu.memref_slice %arg7[%add3A_77, %dma_start3A_84] : memref<320000x32xbf16, #tpu.memory_space<hbm>> -> memref<40x32xbf16, #tpu.memory_space<hbm>>
      tpu.enqueue_dma source(%arg16 : memref<40x32xbf16, #tpu.memory_space<vmem>>) target(%dma_start3A_85 : memref<40x32xbf16, #tpu.memory_space<hbm>>) target_semaphore(%arg24 : memref<!tpu.dma_semaphore, #tpu.memory_space<semaphore_mem>>)
      %mul3A_86 = arith.constant 2 : i32
      %mul3A_87 = arith.muli %mul3A_86, %scan3A_42 : i32
      %add3A_88 = arith.constant 1 : i32
      %add3A_89 = arith.addi %mul3A_87, %add3A_88 : i32
      %add3A_90 = arith.constant 1 : i32
      %add3A_91 = arith.addi %add3A_89, %add3A_90 : i32
      %lt3A_92 = arith.constant 250 : i32
      %lt3A_93 = arith.cmpi slt, %add3A_91, %lt3A_92 : i32
      %convert_element_type3A_94 = arith.extui %lt3A_93 : i1 to i32
      %cond3A_95 = arith.constant 0 : i32
      %cond3A_96 = arith.cmpi ne, %convert_element_type3A_94, %cond3A_95 : i32
      scf.if %cond3A_96 {
        %add3A_133 = arith.constant 1 : i32
        %add3A_134 = arith.addi %add3A_89, %add3A_133 : i32
        %dma_start3A_135 = arith.constant 0 : i32
        %dma_start3A_136 = tpu.memref_slice %arg8[%add3A_134, %dma_start3A_135] : memref<250x40xi32, #tpu.memory_space<vmem>> -> memref<1x40xi32, #tpu.memory_space<vmem>>
        %dma_start3A_137 = tpu.memref_squeeze %dma_start3A_136 : memref<1x40xi32, #tpu.memory_space<vmem>> -> memref<40xi32, #tpu.memory_space<vmem>>
        %dma_start3A_138 = arith.constant 0 : i32
        %dma_start3A_139 = arith.constant 0 : i32
        %dma_start3A_140 = tpu.memref_slice %arg2[%dma_start3A_138, %dma_start3A_139] : memref<10240x160xbf16, #tpu.memory_space<hbm>> -> memref<10240x160xbf16, #tpu.memory_space<hbm>>
        tpu.enqueue_indirect_dma source(%dma_start3A_140 : memref<10240x160xbf16, #tpu.memory_space<hbm>>) target(%arg10 : memref<40x160xbf16, #tpu.memory_space<vmem>>) offsets(%dma_start3A_137 : memref<40xi32, #tpu.memory_space<vmem>>) semaphore(%arg18 : memref<!tpu.dma_semaphore, #tpu.memory_space<semaphore_mem>>)
        %add3A_141 = arith.constant 1 : i32
        %add3A_142 = arith.addi %add3A_89, %add3A_141 : i32
        %dma_start3A_143 = arith.constant 0 : i32
        %dma_start3A_144 = tpu.memref_slice %arg9[%add3A_142, %dma_start3A_143] : memref<250x40xi32, #tpu.memory_space<vmem>> -> memref<1x40xi32, #tpu.memory_space<vmem>>
        %dma_start3A_145 = tpu.memref_squeeze %dma_start3A_144 : memref<1x40xi32, #tpu.memory_space<vmem>> -> memref<40xi32, #tpu.memory_space<vmem>>
        %dma_start3A_146 = arith.constant 0 : i32
        %dma_start3A_147 = arith.constant 0 : i32
        %dma_start3A_148 = tpu.memref_slice %arg3[%dma_start3A_146, %dma_start3A_147] : memref<10240x160xbf16, #tpu.memory_space<hbm>> -> memref<10240x160xbf16, #tpu.memory_space<hbm>>
        tpu.enqueue_indirect_dma source(%dma_start3A_148 : memref<10240x160xbf16, #tpu.memory_space<hbm>>) target(%arg12 : memref<40x160xbf16, #tpu.memory_space<vmem>>) offsets(%dma_start3A_145 : memref<40xi32, #tpu.memory_space<vmem>>) semaphore(%arg20 : memref<!tpu.dma_semaphore, #tpu.memory_space<semaphore_mem>>)
      } else {
      }
      %dma_wait3A_97 = arith.constant 0 : i32
      %dma_wait3A_98 = arith.constant 0 : i32
      %dma_wait3A_99 = tpu.memref_slice %arg2[%dma_wait3A_97, %dma_wait3A_98] : memref<10240x160xbf16, #tpu.memory_space<hbm>> -> memref<40x160xbf16, #tpu.memory_space<hbm>>
      %dma_wait3A_100 = arith.constant 0 : i32
      %dma_wait3A_101 = arith.constant 0 : i32
      %dma_wait3A_102 = tpu.memref_slice %arg2[%dma_wait3A_100, %dma_wait3A_101] : memref<10240x160xbf16, #tpu.memory_space<hbm>> -> memref<40x160xbf16, #tpu.memory_space<hbm>>
      tpu.wait_dma2 semaphore(%arg19 : memref<!tpu.dma_semaphore, #tpu.memory_space<semaphore_mem>>) src(%dma_wait3A_102 : memref<40x160xbf16, #tpu.memory_space<hbm>>) dst(%arg11 : memref<40x160xbf16, #tpu.memory_space<vmem>>)
      %dma_wait3A_103 = arith.constant 0 : i32
      %dma_wait3A_104 = arith.constant 0 : i32
      %dma_wait3A_105 = tpu.memref_slice %arg3[%dma_wait3A_103, %dma_wait3A_104] : memref<10240x160xbf16, #tpu.memory_space<hbm>> -> memref<40x160xbf16, #tpu.memory_space<hbm>>
      %dma_wait3A_106 = arith.constant 0 : i32
      %dma_wait3A_107 = arith.constant 0 : i32
      %dma_wait3A_108 = tpu.memref_slice %arg3[%dma_wait3A_106, %dma_wait3A_107] : memref<10240x160xbf16, #tpu.memory_space<hbm>> -> memref<40x160xbf16, #tpu.memory_space<hbm>>
      tpu.wait_dma2 semaphore(%arg21 : memref<!tpu.dma_semaphore, #tpu.memory_space<semaphore_mem>>) src(%dma_wait3A_108 : memref<40x160xbf16, #tpu.memory_space<hbm>>) dst(%arg13 : memref<40x160xbf16, #tpu.memory_space<vmem>>)
      %ge3A_109 = arith.constant 2 : i32
      %ge3A_110 = arith.cmpi sge, %add3A_89, %ge3A_109 : i32
      %convert_element_type3A_111 = arith.extui %ge3A_110 : i1 to i32
      %cond3A_112 = arith.constant 0 : i32
      %cond3A_113 = arith.cmpi ne, %convert_element_type3A_111, %cond3A_112 : i32
      scf.if %cond3A_113 {
        %dma_wait3A_133 = arith.constant 0 : i32
        %dma_wait3A_134 = arith.constant 0 : i32
        %dma_wait3A_135 = tpu.memref_slice %arg6[%dma_wait3A_133, %dma_wait3A_134] : memref<320000x128xbf16, #tpu.memory_space<hbm>> -> memref<40x128xbf16, #tpu.memory_space<hbm>>
        %dma_wait3A_136 = arith.constant 0 : i32
        %dma_wait3A_137 = arith.constant 0 : i32
        %dma_wait3A_138 = tpu.memref_slice %arg6[%dma_wait3A_136, %dma_wait3A_137] : memref<320000x128xbf16, #tpu.memory_space<hbm>> -> memref<40x128xbf16, #tpu.memory_space<hbm>>
        tpu.wait_dma2 semaphore(%arg23 : memref<!tpu.dma_semaphore, #tpu.memory_space<semaphore_mem>>) src(%dma_wait3A_138 : memref<40x128xbf16, #tpu.memory_space<hbm>>) dst(%arg15 : memref<40x128xbf16, #tpu.memory_space<vmem>>)
        %dma_wait3A_139 = arith.constant 0 : i32
        %dma_wait3A_140 = arith.constant 0 : i32
        %dma_wait3A_141 = tpu.memref_slice %arg7[%dma_wait3A_139, %dma_wait3A_140] : memref<320000x32xbf16, #tpu.memory_space<hbm>> -> memref<40x32xbf16, #tpu.memory_space<hbm>>
        %dma_wait3A_142 = arith.constant 0 : i32
        %dma_wait3A_143 = arith.constant 0 : i32
        %dma_wait3A_144 = tpu.memref_slice %arg7[%dma_wait3A_142, %dma_wait3A_143] : memref<320000x32xbf16, #tpu.memory_space<hbm>> -> memref<40x32xbf16, #tpu.memory_space<hbm>>
        tpu.wait_dma2 semaphore(%arg25 : memref<!tpu.dma_semaphore, #tpu.memory_space<semaphore_mem>>) src(%dma_wait3A_144 : memref<40x32xbf16, #tpu.memory_space<hbm>>) dst(%arg17 : memref<40x32xbf16, #tpu.memory_space<vmem>>)
      } else {
      }
      %scan3A_114 = arith.constant 0 : i32
      %scan3A_115 = arith.constant 0 : i32
      %scan3A_116 = arith.constant 40 : i32
      %scan3A_117 = arith.addi %scan3A_115, %scan3A_116 : i32
      %scan3A_118 = arith.constant 1 : i32
      scf.for %scan3A_133 = %scan3A_115 to %scan3A_117 step %scan3A_118  : i32 {
        %get3A = arith.index_cast %scan3A_133 : i32 to index
        %get3A_134 = arith.constant 0 : index
        %get3A_135 = tpu.vector_load %arg11[%get3A, %get3A_134] {strides = array<i32>} : memref<40x160xbf16, #tpu.memory_space<vmem>>, vector<1x32xbf16>,
        %get3A_136 = vector.shape_cast %get3A_135 : vector<1x32xbf16> to vector<32xbf16>
        %get3A_137 = arith.index_cast %scan3A_133 : i32 to index
        %get3A_138 = arith.constant 0 : index
        %get3A_139 = tpu.vector_load %arg13[%get3A_137, %get3A_138] {strides = array<i32>} : memref<40x160xbf16, #tpu.memory_space<vmem>>, vector<1x32xbf16>,
        %get3A_140 = vector.shape_cast %get3A_139 : vector<1x32xbf16> to vector<32xbf16>
        %add3A_141 = arith.addf %get3A_136, %get3A_140 : vector<32xbf16>
        %swap3A = arith.index_cast %scan3A_133 : i32 to index
        %swap3A_142 = arith.constant 0 : index
        %swap3A_143 = tpu.vector_load %arg15[%swap3A, %swap3A_142] {strides = array<i32>} : memref<40x128xbf16, #tpu.memory_space<vmem>>, vector<1x32xbf16>,
        %swap3A_144 = vector.shape_cast %swap3A_143 : vector<1x32xbf16> to vector<32xbf16>
        %swap3A_145 = vector.shape_cast %add3A_141 : vector<32xbf16> to vector<1x32xbf16>
        tpu.vector_store %arg15[%swap3A, %swap3A_142], %swap3A_145 {strides = array<i32>} : memref<40x128xbf16, #tpu.memory_space<vmem>>, vector<1x32xbf16>,
        %get3A_146 = arith.index_cast %scan3A_133 : i32 to index
        %get3A_147 = arith.constant 32 : index
        %get3A_148 = tpu.vector_load %arg11[%get3A_146, %get3A_147] {strides = array<i32>} : memref<40x160xbf16, #tpu.memory_space<vmem>>, vector<1x32xbf16>,
        %get3A_149 = vector.shape_cast %get3A_148 : vector<1x32xbf16> to vector<32xbf16>
        %get3A_150 = arith.index_cast %scan3A_133 : i32 to index
        %get3A_151 = arith.constant 32 : index
        %get3A_152 = tpu.vector_load %arg13[%get3A_150, %get3A_151] {strides = array<i32>} : memref<40x160xbf16, #tpu.memory_space<vmem>>, vector<1x32xbf16>,
        %get3A_153 = vector.shape_cast %get3A_152 : vector<1x32xbf16> to vector<32xbf16>
        %add3A_154 = arith.addf %get3A_149, %get3A_153 : vector<32xbf16>
        %swap3A_155 = arith.index_cast %scan3A_133 : i32 to index
        %swap3A_156 = arith.constant 32 : index
        %swap3A_157 = tpu.vector_load %arg15[%swap3A_155, %swap3A_156] {strides = array<i32>} : memref<40x128xbf16, #tpu.memory_space<vmem>>, vector<1x32xbf16>,
        %swap3A_158 = vector.shape_cast %swap3A_157 : vector<1x32xbf16> to vector<32xbf16>
        %swap3A_159 = vector.shape_cast %add3A_154 : vector<32xbf16> to vector<1x32xbf16>
        tpu.vector_store %arg15[%swap3A_155, %swap3A_156], %swap3A_159 {strides = array<i32>} : memref<40x128xbf16, #tpu.memory_space<vmem>>, vector<1x32xbf16>,
        %get3A_160 = arith.index_cast %scan3A_133 : i32 to index
        %get3A_161 = arith.constant 64 : index
        %get3A_162 = tpu.vector_load %arg11[%get3A_160, %get3A_161] {strides = array<i32>} : memref<40x160xbf16, #tpu.memory_space<vmem>>, vector<1x32xbf16>,
        %get3A_163 = vector.shape_cast %get3A_162 : vector<1x32xbf16> to vector<32xbf16>
        %get3A_164 = arith.index_cast %scan3A_133 : i32 to index
        %get3A_165 = arith.constant 64 : index
        %get3A_166 = tpu.vector_load %arg13[%get3A_164, %get3A_165] {strides = array<i32>} : memref<40x160xbf16, #tpu.memory_space<vmem>>, vector<1x32xbf16>,
        %get3A_167 = vector.shape_cast %get3A_166 : vector<1x32xbf16> to vector<32xbf16>
        %add3A_168 = arith.addf %get3A_163, %get3A_167 : vector<32xbf16>
        %swap3A_169 = arith.index_cast %scan3A_133 : i32 to index
        %swap3A_170 = arith.constant 64 : index
        %swap3A_171 = tpu.vector_load %arg15[%swap3A_169, %swap3A_170] {strides = array<i32>} : memref<40x128xbf16, #tpu.memory_space<vmem>>, vector<1x32xbf16>,
        %swap3A_172 = vector.shape_cast %swap3A_171 : vector<1x32xbf16> to vector<32xbf16>
        %swap3A_173 = vector.shape_cast %add3A_168 : vector<32xbf16> to vector<1x32xbf16>
        tpu.vector_store %arg15[%swap3A_169, %swap3A_170], %swap3A_173 {strides = array<i32>} : memref<40x128xbf16, #tpu.memory_space<vmem>>, vector<1x32xbf16>,
        %get3A_174 = arith.index_cast %scan3A_133 : i32 to index
        %get3A_175 = arith.constant 96 : index
        %get3A_176 = tpu.vector_load %arg11[%get3A_174, %get3A_175] {strides = array<i32>} : memref<40x160xbf16, #tpu.memory_space<vmem>>, vector<1x32xbf16>,
        %get3A_177 = vector.shape_cast %get3A_176 : vector<1x32xbf16> to vector<32xbf16>
        %get3A_178 = arith.index_cast %scan3A_133 : i32 to index
        %get3A_179 = arith.constant 96 : index
        %get3A_180 = tpu.vector_load %arg13[%get3A_178, %get3A_179] {strides = array<i32>} : memref<40x160xbf16, #tpu.memory_space<vmem>>, vector<1x32xbf16>,
        %get3A_181 = vector.shape_cast %get3A_180 : vector<1x32xbf16> to vector<32xbf16>
        %add3A_182 = arith.addf %get3A_177, %get3A_181 : vector<32xbf16>
        %swap3A_183 = arith.index_cast %scan3A_133 : i32 to index
        %swap3A_184 = arith.constant 96 : index
        %swap3A_185 = tpu.vector_load %arg15[%swap3A_183, %swap3A_184] {strides = array<i32>} : memref<40x128xbf16, #tpu.memory_space<vmem>>, vector<1x32xbf16>,
        %swap3A_186 = vector.shape_cast %swap3A_185 : vector<1x32xbf16> to vector<32xbf16>
        %swap3A_187 = vector.shape_cast %add3A_182 : vector<32xbf16> to vector<1x32xbf16>
        tpu.vector_store %arg15[%swap3A_183, %swap3A_184], %swap3A_187 {strides = array<i32>} : memref<40x128xbf16, #tpu.memory_space<vmem>>, vector<1x32xbf16>,
        %get3A_188 = arith.index_cast %scan3A_133 : i32 to index
        %get3A_189 = arith.constant 128 : index
        %get3A_190 = tpu.vector_load %arg11[%get3A_188, %get3A_189] {strides = array<i32>} : memref<40x160xbf16, #tpu.memory_space<vmem>>, vector<1x32xbf16>,
        %get3A_191 = vector.shape_cast %get3A_190 : vector<1x32xbf16> to vector<32xbf16>
        %get3A_192 = arith.index_cast %scan3A_133 : i32 to index
        %get3A_193 = arith.constant 128 : index
        %get3A_194 = tpu.vector_load %arg13[%get3A_192, %get3A_193] {strides = array<i32>} : memref<40x160xbf16, #tpu.memory_space<vmem>>, vector<1x32xbf16>,
        %get3A_195 = vector.shape_cast %get3A_194 : vector<1x32xbf16> to vector<32xbf16>
        %add3A_196 = arith.addf %get3A_191, %get3A_195 : vector<32xbf16>
        %swap3A_197 = arith.index_cast %scan3A_133 : i32 to index
        %swap3A_198 = arith.constant 0 : index
        %swap3A_199 = tpu.vector_load %arg17[%swap3A_197, %swap3A_198] {strides = array<i32>} : memref<40x32xbf16, #tpu.memory_space<vmem>>, vector<1x32xbf16>,
        %swap3A_200 = vector.shape_cast %swap3A_199 : vector<1x32xbf16> to vector<32xbf16>
        %swap3A_201 = vector.shape_cast %add3A_196 : vector<32xbf16> to vector<1x32xbf16>
        tpu.vector_store %arg17[%swap3A_197, %swap3A_198], %swap3A_201 {strides = array<i32>} : memref<40x32xbf16, #tpu.memory_space<vmem>>, vector<1x32xbf16>,
      }
      %scan3A_119 = arith.constant 40 : i32
      %mul3A_120 = arith.constant 10000 : i32
      %mul3A_121 = arith.muli %add3A, %mul3A_120 : i32
      %mul3A_122 = arith.constant 40 : i32
      %mul3A_123 = arith.muli %add3A_89, %mul3A_122 : i32
      %add3A_124 = arith.addi %mul3A_121, %mul3A_123 : i32
      %dma_start3A_125 = arith.constant 0 : i32
      %dma_start3A_126 = tpu.memref_slice %arg6[%add3A_124, %dma_start3A_125] : memref<320000x128xbf16, #tpu.memory_space<hbm>> -> memref<40x128xbf16, #tpu.memory_space<hbm>>
      %dma_start3A_127 = arith.constant 0 : i32
      %dma_start3A_128 = tpu.memref_slice %arg6[%add3A_124, %dma_start3A_127] : memref<320000x128xbf16, #tpu.memory_space<hbm>> -> memref<40x128xbf16, #tpu.memory_space<hbm>>
      tpu.enqueue_dma source(%arg15 : memref<40x128xbf16, #tpu.memory_space<vmem>>) target(%dma_start3A_128 : memref<40x128xbf16, #tpu.memory_space<hbm>>) target_semaphore(%arg23 : memref<!tpu.dma_semaphore, #tpu.memory_space<semaphore_mem>>)
      %dma_start3A_129 = arith.constant 0 : i32
      %dma_start3A_130 = tpu.memref_slice %arg7[%add3A_124, %dma_start3A_129] : memref<320000x32xbf16, #tpu.memory_space<hbm>> -> memref<40x32xbf16, #tpu.memory_space<hbm>>
      %dma_start3A_131 = arith.constant 0 : i32
      %dma_start3A_132 = tpu.memref_slice %arg7[%add3A_124, %dma_start3A_131] : memref<320000x32xbf16, #tpu.memory_space<hbm>> -> memref<40x32xbf16, #tpu.memory_space<hbm>>
      tpu.enqueue_dma source(%arg17 : memref<40x32xbf16, #tpu.memory_space<vmem>>) target(%dma_start3A_132 : memref<40x32xbf16, #tpu.memory_space<hbm>>) target_semaphore(%arg25 : memref<!tpu.dma_semaphore, #tpu.memory_space<semaphore_mem>>)
    }
    %scan3A_18 = arith.constant 125 : i32
    %dma_wait3A = arith.constant 0 : i32
    %dma_wait3A_19 = arith.constant 0 : i32
    %dma_wait3A_20 = tpu.memref_slice %arg6[%dma_wait3A, %dma_wait3A_19] : memref<320000x128xbf16, #tpu.memory_space<hbm>> -> memref<40x128xbf16, #tpu.memory_space<hbm>>
    %dma_wait3A_21 = arith.constant 0 : i32
    %dma_wait3A_22 = arith.constant 0 : i32
    %dma_wait3A_23 = tpu.memref_slice %arg6[%dma_wait3A_21, %dma_wait3A_22] : memref<320000x128xbf16, #tpu.memory_space<hbm>> -> memref<40x128xbf16, #tpu.memory_space<hbm>>
    tpu.wait_dma2 semaphore(%arg22 : memref<!tpu.dma_semaphore, #tpu.memory_space<semaphore_mem>>) src(%dma_wait3A_23 : memref<40x128xbf16, #tpu.memory_space<hbm>>) dst(%arg14 : memref<40x128xbf16, #tpu.memory_space<vmem>>)
    %dma_wait3A_24 = arith.constant 0 : i32
    %dma_wait3A_25 = arith.constant 0 : i32
    %dma_wait3A_26 = tpu.memref_slice %arg7[%dma_wait3A_24, %dma_wait3A_25] : memref<320000x32xbf16, #tpu.memory_space<hbm>> -> memref<40x32xbf16, #tpu.memory_space<hbm>>
    %dma_wait3A_27 = arith.constant 0 : i32
    %dma_wait3A_28 = arith.constant 0 : i32
    %dma_wait3A_29 = tpu.memref_slice %arg7[%dma_wait3A_27, %dma_wait3A_28] : memref<320000x32xbf16, #tpu.memory_space<hbm>> -> memref<40x32xbf16, #tpu.memory_space<hbm>>
    tpu.wait_dma2 semaphore(%arg24 : memref<!tpu.dma_semaphore, #tpu.memory_space<semaphore_mem>>) src(%dma_wait3A_29 : memref<40x32xbf16, #tpu.memory_space<hbm>>) dst(%arg16 : memref<40x32xbf16, #tpu.memory_space<vmem>>)
    %dma_wait3A_30 = arith.constant 0 : i32
    %dma_wait3A_31 = arith.constant 0 : i32
    %dma_wait3A_32 = tpu.memref_slice %arg6[%dma_wait3A_30, %dma_wait3A_31] : memref<320000x128xbf16, #tpu.memory_space<hbm>> -> memref<40x128xbf16, #tpu.memory_space<hbm>>
    %dma_wait3A_33 = arith.constant 0 : i32
    %dma_wait3A_34 = arith.constant 0 : i32
    %dma_wait3A_35 = tpu.memref_slice %arg6[%dma_wait3A_33, %dma_wait3A_34] : memref<320000x128xbf16, #tpu.memory_space<hbm>> -> memref<40x128xbf16, #tpu.memory_space<hbm>>
    tpu.wait_dma2 semaphore(%arg23 : memref<!tpu.dma_semaphore, #tpu.memory_space<semaphore_mem>>) src(%dma_wait3A_35 : memref<40x128xbf16, #tpu.memory_space<hbm>>) dst(%arg15 : memref<40x128xbf16, #tpu.memory_space<vmem>>)
    %dma_wait3A_36 = arith.constant 0 : i32
    %dma_wait3A_37 = arith.constant 0 : i32
    %dma_wait3A_38 = tpu.memref_slice %arg7[%dma_wait3A_36, %dma_wait3A_37] : memref<320000x32xbf16, #tpu.memory_space<hbm>> -> memref<40x32xbf16, #tpu.memory_space<hbm>>
    %dma_wait3A_39 = arith.constant 0 : i32
    %dma_wait3A_40 = arith.constant 0 : i32
    %dma_wait3A_41 = tpu.memref_slice %arg7[%dma_wait3A_39, %dma_wait3A_40] : memref<320000x32xbf16, #tpu.memory_space<hbm>> -> memref<40x32xbf16, #tpu.memory_space<hbm>>
    tpu.wait_dma2 semaphore(%arg25 : memref<!tpu.dma_semaphore, #tpu.memory_space<semaphore_mem>>) src(%dma_wait3A_41 : memref<40x32xbf16, #tpu.memory_space<hbm>>) dst(%arg17 : memref<40x32xbf16, #tpu.memory_space<vmem>>)
    return
  }
}

#map = affine_map<(d0, d1) -> (0, 0)>
#map1 = affine_map<(d0, d1) -> (0, 0, 0)>
module attributes {stable_mosaic.version = 14 : i64} {
  func.func @k(%arg0: i32, %arg1: i32, %arg2: memref<320000x128xf32, #tpu.memory_space<hbm>>, %arg3: memref<32x250x40xi32, #tpu.memory_space<hbm>>, %arg4: memref<2x10240x128xf32, #tpu.memory_space<hbm>>, %arg5: memref<2x10240x16xf32, #tpu.memory_space<hbm>>, %arg6: memref<250x40xi32, #tpu.memory_space<vmem>>, %arg7: memref<40x128xf32, #tpu.memory_space<vmem>>, %arg8: memref<40x128xf32, #tpu.memory_space<vmem>>, %arg9: memref<40x16xf32, #tpu.memory_space<vmem>>, %arg10: memref<10240x128xf32, #tpu.memory_space<vmem_shared>>, %arg11: memref<10240x16xf32, #tpu.memory_space<vmem_shared>>, %arg12: memref<!tpu.dma_semaphore, #tpu.memory_space<semaphore_mem>>, %arg13: memref<!tpu.dma_semaphore, #tpu.memory_space<semaphore_mem>>, %arg14: memref<!tpu.dma_semaphore, #tpu.memory_space<semaphore_mem>>, %arg15: memref<!tpu.dma_semaphore, #tpu.memory_space<semaphore_mem>>, %arg16: memref<!tpu.dma_semaphore, #tpu.memory_space<semaphore_mem>>, %arg17: memref<!tpu.dma_semaphore, #tpu.memory_space<semaphore_mem>>) attributes {dimension_semantics = [#tpu.dimension_semantics<core_parallel>, #tpu.dimension_semantics<subcore_parallel>], iteration_bounds = array<i64: 2, 16>, scalar_prefetch = 0 : i64, scratch_operands = 12 : i64, tpu.core_type = #tpu.core_type<sc_vector_subcore>, window_params = [{transform_indices = #map}, {transform_indices = #map1}, {transform_indices = #map1}, {transform_indices = #map1}]} {
    %mul3A = arith.constant 16 : i32
    %mul3A_0 = arith.muli %arg0, %mul3A : i32
    %add3A = arith.addi %mul3A_0, %arg1 : i32
    "tpu.region"() ({
      %run_scoped3A = tpu.sem_alloc : memref<!tpu.dma_semaphore, #tpu.memory_space<semaphore_mem>>
      %dma_start3A_52 = arith.constant 0 : i32
      %dma_start3A_53 = arith.constant 0 : i32
      %dma_start3A_54 = tpu.memref_slice %arg3[%add3A, %dma_start3A_52, %dma_start3A_53] : memref<32x250x40xi32, #tpu.memory_space<hbm>> -> memref<1x250x40xi32, #tpu.memory_space<hbm>>
      %dma_start3A_55 = tpu.memref_squeeze %dma_start3A_54 : memref<1x250x40xi32, #tpu.memory_space<hbm>> -> memref<250x40xi32, #tpu.memory_space<hbm>>
      %dma_start3A_56 = arith.constant 0 : i32
      %dma_start3A_57 = arith.constant 0 : i32
      %dma_start3A_58 = tpu.memref_slice %arg3[%add3A, %dma_start3A_56, %dma_start3A_57] : memref<32x250x40xi32, #tpu.memory_space<hbm>> -> memref<1x250x40xi32, #tpu.memory_space<hbm>>
      %dma_start3A_59 = tpu.memref_squeeze %dma_start3A_58 : memref<1x250x40xi32, #tpu.memory_space<hbm>> -> memref<250x40xi32, #tpu.memory_space<hbm>>
      tpu.enqueue_dma source(%dma_start3A_59 : memref<250x40xi32, #tpu.memory_space<hbm>>) target(%arg6 : memref<250x40xi32, #tpu.memory_space<vmem>>) target_semaphore(%run_scoped3A : memref<!tpu.dma_semaphore, #tpu.memory_space<semaphore_mem>>)
      %dma_wait3A_60 = arith.constant 0 : i32
      %dma_wait3A_61 = arith.constant 0 : i32
      %dma_wait3A_62 = tpu.memref_slice %arg3[%add3A, %dma_wait3A_60, %dma_wait3A_61] : memref<32x250x40xi32, #tpu.memory_space<hbm>> -> memref<1x250x40xi32, #tpu.memory_space<hbm>>
      %dma_wait3A_63 = tpu.memref_squeeze %dma_wait3A_62 : memref<1x250x40xi32, #tpu.memory_space<hbm>> -> memref<250x40xi32, #tpu.memory_space<hbm>>
      %dma_wait3A_64 = arith.constant 0 : i32
      %dma_wait3A_65 = arith.constant 0 : i32
      %dma_wait3A_66 = tpu.memref_slice %arg3[%add3A, %dma_wait3A_64, %dma_wait3A_65] : memref<32x250x40xi32, #tpu.memory_space<hbm>> -> memref<1x250x40xi32, #tpu.memory_space<hbm>>
      %dma_wait3A_67 = tpu.memref_squeeze %dma_wait3A_66 : memref<1x250x40xi32, #tpu.memory_space<hbm>> -> memref<250x40xi32, #tpu.memory_space<hbm>>
      tpu.wait_dma2 semaphore(%run_scoped3A : memref<!tpu.dma_semaphore, #tpu.memory_space<semaphore_mem>>) src(%dma_wait3A_67 : memref<250x40xi32, #tpu.memory_space<hbm>>) dst(%arg6 : memref<250x40xi32, #tpu.memory_space<vmem>>)
      tpu.yield
    }) : () -> ()
    %scan3A = arith.constant 0 : i32
    %scan3A_1 = arith.constant 0 : i32
    %scan3A_2 = arith.constant 40 : i32
    %scan3A_3 = arith.addi %scan3A_1, %scan3A_2 : i32
    %scan3A_4 = arith.constant 1 : i32
    scf.for %scan3A_52 = %scan3A_1 to %scan3A_3 step %scan3A_4  : i32 {
      %broadcast_in_dim3A = arith.constant 0.000000e+00 : f32
      %broadcast_in_dim3A_53 = vector.broadcast %broadcast_in_dim3A : f32 to vector<16xf32>
      %swap3A = arith.index_cast %scan3A_52 : i32 to index
      %swap3A_54 = arith.constant 0 : index
      %swap3A_55 = tpu.vector_load %arg7[%swap3A, %swap3A_54] {strides = array<i32>} : memref<40x128xf32, #tpu.memory_space<vmem>>, vector<1x16xf32>,
      %swap3A_56 = vector.shape_cast %swap3A_55 : vector<1x16xf32> to vector<16xf32>
      %swap3A_57 = vector.shape_cast %broadcast_in_dim3A_53 : vector<16xf32> to vector<1x16xf32>
      tpu.vector_store %arg7[%swap3A, %swap3A_54], %swap3A_57 {strides = array<i32>} : memref<40x128xf32, #tpu.memory_space<vmem>>, vector<1x16xf32>,
      %broadcast_in_dim3A_58 = arith.constant 0.000000e+00 : f32
      %broadcast_in_dim3A_59 = vector.broadcast %broadcast_in_dim3A_58 : f32 to vector<16xf32>
      %swap3A_60 = arith.index_cast %scan3A_52 : i32 to index
      %swap3A_61 = arith.constant 16 : index
      %swap3A_62 = tpu.vector_load %arg7[%swap3A_60, %swap3A_61] {strides = array<i32>} : memref<40x128xf32, #tpu.memory_space<vmem>>, vector<1x16xf32>,
      %swap3A_63 = vector.shape_cast %swap3A_62 : vector<1x16xf32> to vector<16xf32>
      %swap3A_64 = vector.shape_cast %broadcast_in_dim3A_59 : vector<16xf32> to vector<1x16xf32>
      tpu.vector_store %arg7[%swap3A_60, %swap3A_61], %swap3A_64 {strides = array<i32>} : memref<40x128xf32, #tpu.memory_space<vmem>>, vector<1x16xf32>,
      %broadcast_in_dim3A_65 = arith.constant 0.000000e+00 : f32
      %broadcast_in_dim3A_66 = vector.broadcast %broadcast_in_dim3A_65 : f32 to vector<16xf32>
      %swap3A_67 = arith.index_cast %scan3A_52 : i32 to index
      %swap3A_68 = arith.constant 32 : index
      %swap3A_69 = tpu.vector_load %arg7[%swap3A_67, %swap3A_68] {strides = array<i32>} : memref<40x128xf32, #tpu.memory_space<vmem>>, vector<1x16xf32>,
      %swap3A_70 = vector.shape_cast %swap3A_69 : vector<1x16xf32> to vector<16xf32>
      %swap3A_71 = vector.shape_cast %broadcast_in_dim3A_66 : vector<16xf32> to vector<1x16xf32>
      tpu.vector_store %arg7[%swap3A_67, %swap3A_68], %swap3A_71 {strides = array<i32>} : memref<40x128xf32, #tpu.memory_space<vmem>>, vector<1x16xf32>,
      %broadcast_in_dim3A_72 = arith.constant 0.000000e+00 : f32
      %broadcast_in_dim3A_73 = vector.broadcast %broadcast_in_dim3A_72 : f32 to vector<16xf32>
      %swap3A_74 = arith.index_cast %scan3A_52 : i32 to index
      %swap3A_75 = arith.constant 48 : index
      %swap3A_76 = tpu.vector_load %arg7[%swap3A_74, %swap3A_75] {strides = array<i32>} : memref<40x128xf32, #tpu.memory_space<vmem>>, vector<1x16xf32>,
      %swap3A_77 = vector.shape_cast %swap3A_76 : vector<1x16xf32> to vector<16xf32>
      %swap3A_78 = vector.shape_cast %broadcast_in_dim3A_73 : vector<16xf32> to vector<1x16xf32>
      tpu.vector_store %arg7[%swap3A_74, %swap3A_75], %swap3A_78 {strides = array<i32>} : memref<40x128xf32, #tpu.memory_space<vmem>>, vector<1x16xf32>,
      %broadcast_in_dim3A_79 = arith.constant 0.000000e+00 : f32
      %broadcast_in_dim3A_80 = vector.broadcast %broadcast_in_dim3A_79 : f32 to vector<16xf32>
      %swap3A_81 = arith.index_cast %scan3A_52 : i32 to index
      %swap3A_82 = arith.constant 64 : index
      %swap3A_83 = tpu.vector_load %arg7[%swap3A_81, %swap3A_82] {strides = array<i32>} : memref<40x128xf32, #tpu.memory_space<vmem>>, vector<1x16xf32>,
      %swap3A_84 = vector.shape_cast %swap3A_83 : vector<1x16xf32> to vector<16xf32>
      %swap3A_85 = vector.shape_cast %broadcast_in_dim3A_80 : vector<16xf32> to vector<1x16xf32>
      tpu.vector_store %arg7[%swap3A_81, %swap3A_82], %swap3A_85 {strides = array<i32>} : memref<40x128xf32, #tpu.memory_space<vmem>>, vector<1x16xf32>,
      %broadcast_in_dim3A_86 = arith.constant 0.000000e+00 : f32
      %broadcast_in_dim3A_87 = vector.broadcast %broadcast_in_dim3A_86 : f32 to vector<16xf32>
      %swap3A_88 = arith.index_cast %scan3A_52 : i32 to index
      %swap3A_89 = arith.constant 80 : index
      %swap3A_90 = tpu.vector_load %arg7[%swap3A_88, %swap3A_89] {strides = array<i32>} : memref<40x128xf32, #tpu.memory_space<vmem>>, vector<1x16xf32>,
      %swap3A_91 = vector.shape_cast %swap3A_90 : vector<1x16xf32> to vector<16xf32>
      %swap3A_92 = vector.shape_cast %broadcast_in_dim3A_87 : vector<16xf32> to vector<1x16xf32>
      tpu.vector_store %arg7[%swap3A_88, %swap3A_89], %swap3A_92 {strides = array<i32>} : memref<40x128xf32, #tpu.memory_space<vmem>>, vector<1x16xf32>,
      %broadcast_in_dim3A_93 = arith.constant 0.000000e+00 : f32
      %broadcast_in_dim3A_94 = vector.broadcast %broadcast_in_dim3A_93 : f32 to vector<16xf32>
      %swap3A_95 = arith.index_cast %scan3A_52 : i32 to index
      %swap3A_96 = arith.constant 96 : index
      %swap3A_97 = tpu.vector_load %arg7[%swap3A_95, %swap3A_96] {strides = array<i32>} : memref<40x128xf32, #tpu.memory_space<vmem>>, vector<1x16xf32>,
      %swap3A_98 = vector.shape_cast %swap3A_97 : vector<1x16xf32> to vector<16xf32>
      %swap3A_99 = vector.shape_cast %broadcast_in_dim3A_94 : vector<16xf32> to vector<1x16xf32>
      tpu.vector_store %arg7[%swap3A_95, %swap3A_96], %swap3A_99 {strides = array<i32>} : memref<40x128xf32, #tpu.memory_space<vmem>>, vector<1x16xf32>,
      %broadcast_in_dim3A_100 = arith.constant 0.000000e+00 : f32
      %broadcast_in_dim3A_101 = vector.broadcast %broadcast_in_dim3A_100 : f32 to vector<16xf32>
      %swap3A_102 = arith.index_cast %scan3A_52 : i32 to index
      %swap3A_103 = arith.constant 112 : index
      %swap3A_104 = tpu.vector_load %arg7[%swap3A_102, %swap3A_103] {strides = array<i32>} : memref<40x128xf32, #tpu.memory_space<vmem>>, vector<1x16xf32>,
      %swap3A_105 = vector.shape_cast %swap3A_104 : vector<1x16xf32> to vector<16xf32>
      %swap3A_106 = vector.shape_cast %broadcast_in_dim3A_101 : vector<16xf32> to vector<1x16xf32>
      tpu.vector_store %arg7[%swap3A_102, %swap3A_103], %swap3A_106 {strides = array<i32>} : memref<40x128xf32, #tpu.memory_space<vmem>>, vector<1x16xf32>,
      %broadcast_in_dim3A_107 = arith.constant 0.000000e+00 : f32
      %broadcast_in_dim3A_108 = vector.broadcast %broadcast_in_dim3A_107 : f32 to vector<16xf32>
      %swap3A_109 = arith.index_cast %scan3A_52 : i32 to index
      %swap3A_110 = arith.constant 0 : index
      %swap3A_111 = tpu.vector_load %arg9[%swap3A_109, %swap3A_110] {strides = array<i32>} : memref<40x16xf32, #tpu.memory_space<vmem>>, vector<1x16xf32>,
      %swap3A_112 = vector.shape_cast %swap3A_111 : vector<1x16xf32> to vector<16xf32>
      %swap3A_113 = vector.shape_cast %broadcast_in_dim3A_108 : vector<16xf32> to vector<1x16xf32>
      tpu.vector_store %arg9[%swap3A_109, %swap3A_110], %swap3A_113 {strides = array<i32>} : memref<40x16xf32, #tpu.memory_space<vmem>>, vector<1x16xf32>,
    }
    %scan3A_5 = arith.constant 40 : i32
    %scan3A_6 = arith.constant 0 : i32
    %scan3A_7 = arith.constant 0 : i32
    %scan3A_8 = arith.constant 16 : i32
    %scan3A_9 = arith.addi %scan3A_7, %scan3A_8 : i32
    %scan3A_10 = arith.constant 1 : i32
    scf.for %scan3A_52 = %scan3A_7 to %scan3A_9 step %scan3A_10  : i32 {
      %mul3A_53 = arith.constant 640 : i32
      %mul3A_54 = arith.muli %arg1, %mul3A_53 : i32
      %mul3A_55 = arith.constant 40 : i32
      %mul3A_56 = arith.muli %scan3A_52, %mul3A_55 : i32
      %add3A_57 = arith.addi %mul3A_54, %mul3A_56 : i32
      "tpu.region"() ({
        %run_scoped3A = tpu.sem_alloc : memref<!tpu.dma_semaphore, #tpu.memory_space<semaphore_mem>>
        %dma_start3A_63 = arith.constant 0 : i32
        %dma_start3A_64 = tpu.memref_slice %arg10[%add3A_57, %dma_start3A_63] : memref<10240x128xf32, #tpu.memory_space<vmem_shared>> -> memref<40x128xf32, #tpu.memory_space<vmem_shared>>
        %dma_start3A_65 = arith.constant 0 : i32
        %dma_start3A_66 = tpu.memref_slice %arg10[%add3A_57, %dma_start3A_65] : memref<10240x128xf32, #tpu.memory_space<vmem_shared>> -> memref<40x128xf32, #tpu.memory_space<vmem_shared>>
        tpu.enqueue_dma source(%arg7 : memref<40x128xf32, #tpu.memory_space<vmem>>) target(%dma_start3A_66 : memref<40x128xf32, #tpu.memory_space<vmem_shared>>) target_semaphore(%run_scoped3A : memref<!tpu.dma_semaphore, #tpu.memory_space<semaphore_mem>>)
        %dma_wait3A_67 = arith.constant 0 : i32
        %dma_wait3A_68 = tpu.memref_slice %arg10[%add3A_57, %dma_wait3A_67] : memref<10240x128xf32, #tpu.memory_space<vmem_shared>> -> memref<40x128xf32, #tpu.memory_space<vmem_shared>>
        %dma_wait3A_69 = arith.constant 0 : i32
        %dma_wait3A_70 = tpu.memref_slice %arg10[%add3A_57, %dma_wait3A_69] : memref<10240x128xf32, #tpu.memory_space<vmem_shared>> -> memref<40x128xf32, #tpu.memory_space<vmem_shared>>
        tpu.wait_dma2 semaphore(%run_scoped3A : memref<!tpu.dma_semaphore, #tpu.memory_space<semaphore_mem>>) src(%arg7 : memref<40x128xf32, #tpu.memory_space<vmem>>) dst(%dma_wait3A_70 : memref<40x128xf32, #tpu.memory_space<vmem_shared>>)
        tpu.yield
      }) : () -> ()
      %mul3A_58 = arith.constant 640 : i32
      %mul3A_59 = arith.muli %arg1, %mul3A_58 : i32
      %mul3A_60 = arith.constant 40 : i32
      %mul3A_61 = arith.muli %scan3A_52, %mul3A_60 : i32
      %add3A_62 = arith.addi %mul3A_59, %mul3A_61 : i32
      "tpu.region"() ({
        %run_scoped3A = tpu.sem_alloc : memref<!tpu.dma_semaphore, #tpu.memory_space<semaphore_mem>>
        %dma_start3A_63 = arith.constant 0 : i32
        %dma_start3A_64 = tpu.memref_slice %arg11[%add3A_62, %dma_start3A_63] : memref<10240x16xf32, #tpu.memory_space<vmem_shared>> -> memref<40x16xf32, #tpu.memory_space<vmem_shared>>
        %dma_start3A_65 = arith.constant 0 : i32
        %dma_start3A_66 = tpu.memref_slice %arg11[%add3A_62, %dma_start3A_65] : memref<10240x16xf32, #tpu.memory_space<vmem_shared>> -> memref<40x16xf32, #tpu.memory_space<vmem_shared>>
        tpu.enqueue_dma source(%arg9 : memref<40x16xf32, #tpu.memory_space<vmem>>) target(%dma_start3A_66 : memref<40x16xf32, #tpu.memory_space<vmem_shared>>) target_semaphore(%run_scoped3A : memref<!tpu.dma_semaphore, #tpu.memory_space<semaphore_mem>>)
        %dma_wait3A_67 = arith.constant 0 : i32
        %dma_wait3A_68 = tpu.memref_slice %arg11[%add3A_62, %dma_wait3A_67] : memref<10240x16xf32, #tpu.memory_space<vmem_shared>> -> memref<40x16xf32, #tpu.memory_space<vmem_shared>>
        %dma_wait3A_69 = arith.constant 0 : i32
        %dma_wait3A_70 = tpu.memref_slice %arg11[%add3A_62, %dma_wait3A_69] : memref<10240x16xf32, #tpu.memory_space<vmem_shared>> -> memref<40x16xf32, #tpu.memory_space<vmem_shared>>
        tpu.wait_dma2 semaphore(%run_scoped3A : memref<!tpu.dma_semaphore, #tpu.memory_space<semaphore_mem>>) src(%arg9 : memref<40x16xf32, #tpu.memory_space<vmem>>) dst(%dma_wait3A_70 : memref<40x16xf32, #tpu.memory_space<vmem_shared>>)
        tpu.yield
      }) : () -> ()
    }
    %scan3A_11 = arith.constant 16 : i32
    %scan3A_12 = arith.constant 0 : i32
    %scan3A_13 = arith.constant 0 : i32
    %scan3A_14 = arith.constant 40 : i32
    %scan3A_15 = arith.addi %scan3A_13, %scan3A_14 : i32
    %scan3A_16 = arith.constant 1 : i32
    scf.for %scan3A_52 = %scan3A_13 to %scan3A_15 step %scan3A_16  : i32 {
      %broadcast_in_dim3A = arith.constant 1.000000e+00 : f32
      %broadcast_in_dim3A_53 = vector.broadcast %broadcast_in_dim3A : f32 to vector<16xf32>
      %swap3A = arith.index_cast %scan3A_52 : i32 to index
      %swap3A_54 = arith.constant 0 : index
      %swap3A_55 = tpu.vector_load %arg9[%swap3A, %swap3A_54] {strides = array<i32>} : memref<40x16xf32, #tpu.memory_space<vmem>>, vector<1x16xf32>,
      %swap3A_56 = vector.shape_cast %swap3A_55 : vector<1x16xf32> to vector<16xf32>
      %swap3A_57 = vector.shape_cast %broadcast_in_dim3A_53 : vector<16xf32> to vector<1x16xf32>
      tpu.vector_store %arg9[%swap3A, %swap3A_54], %swap3A_57 {strides = array<i32>} : memref<40x16xf32, #tpu.memory_space<vmem>>, vector<1x16xf32>,
    }
    %scan3A_17 = arith.constant 40 : i32
    %barrier3A = arith.constant 0 : index
    tpu.barrier barrier_id(%barrier3A)
    %mul3A_18 = arith.constant 10000 : i32
    %mul3A_19 = arith.muli %add3A, %mul3A_18 : i32
    %dma_start3A = arith.constant 0 : i32
    %dma_start3A_20 = tpu.memref_slice %arg2[%mul3A_19, %dma_start3A] : memref<320000x128xf32, #tpu.memory_space<hbm>> -> memref<40x128xf32, #tpu.memory_space<hbm>>
    %dma_start3A_21 = arith.constant 0 : i32
    %dma_start3A_22 = tpu.memref_slice %arg2[%mul3A_19, %dma_start3A_21] : memref<320000x128xf32, #tpu.memory_space<hbm>> -> memref<40x128xf32, #tpu.memory_space<hbm>>
    tpu.enqueue_dma source(%dma_start3A_22 : memref<40x128xf32, #tpu.memory_space<hbm>>) target(%arg7 : memref<40x128xf32, #tpu.memory_space<vmem>>) target_semaphore(%arg12 : memref<!tpu.dma_semaphore, #tpu.memory_space<semaphore_mem>>)
    %scan3A_23 = arith.constant 0 : i32
    %scan3A_24 = arith.constant 0 : i32
    %scan3A_25 = arith.constant 125 : i32
    %scan3A_26 = arith.addi %scan3A_24, %scan3A_25 : i32
    %scan3A_27 = arith.constant 1 : i32
    scf.for %scan3A_52 = %scan3A_24 to %scan3A_26 step %scan3A_27  : i32 {
      %mul3A_53 = arith.constant 2 : i32
      %mul3A_54 = arith.muli %mul3A_53, %scan3A_52 : i32
      %add3A_55 = arith.constant 0 : i32
      %add3A_56 = arith.addi %mul3A_54, %add3A_55 : i32
      %ge3A = arith.constant 1 : i32
      %ge3A_57 = arith.cmpi sge, %add3A_56, %ge3A : i32
      %convert_element_type3A = arith.extui %ge3A_57 : i1 to i32
      %cond3A = arith.constant 0 : i32
      %cond3A_58 = arith.cmpi ne, %convert_element_type3A, %cond3A : i32
      scf.if %cond3A_58 {
        %dma_wait3A_117 = arith.constant 0 : i32
        %dma_wait3A_118 = arith.constant 0 : i32
        %dma_wait3A_119 = tpu.memref_slice %arg2[%dma_wait3A_117, %dma_wait3A_118] : memref<320000x128xf32, #tpu.memory_space<hbm>> -> memref<40x128xf32, #tpu.memory_space<hbm>>
        %dma_wait3A_120 = arith.constant 0 : i32
        %dma_wait3A_121 = arith.constant 0 : i32
        %dma_wait3A_122 = tpu.memref_slice %arg2[%dma_wait3A_120, %dma_wait3A_121] : memref<320000x128xf32, #tpu.memory_space<hbm>> -> memref<40x128xf32, #tpu.memory_space<hbm>>
        tpu.wait_dma2 semaphore(%arg15 : memref<!tpu.dma_semaphore, #tpu.memory_space<semaphore_mem>>) src(%dma_wait3A_122 : memref<40x128xf32, #tpu.memory_space<hbm>>) dst(%arg8 : memref<40x128xf32, #tpu.memory_space<vmem>>)
        %dma_wait3A_123 = arith.constant 0 : i32
        %dma_wait3A_124 = arith.constant 0 : i32
        %dma_wait3A_125 = arith.constant 0 : i32
        %dma_wait3A_126 = tpu.memref_slice %arg5[%dma_wait3A_123, %dma_wait3A_124, %dma_wait3A_125] : memref<2x10240x16xf32, #tpu.memory_space<hbm>> -> memref<1x40x16xf32, #tpu.memory_space<hbm>>
        %dma_wait3A_127 = tpu.memref_squeeze %dma_wait3A_126 : memref<1x40x16xf32, #tpu.memory_space<hbm>> -> memref<40x16xf32, #tpu.memory_space<hbm>>
        %dma_wait3A_128 = arith.constant 0 : i32
        %dma_wait3A_129 = arith.constant 0 : i32
        %dma_wait3A_130 = tpu.memref_slice %arg5[%dma_wait3A_123, %dma_wait3A_128, %dma_wait3A_129] : memref<2x10240x16xf32, #tpu.memory_space<hbm>> -> memref<1x40x16xf32, #tpu.memory_space<hbm>>
        %dma_wait3A_131 = tpu.memref_squeeze %dma_wait3A_130 : memref<1x40x16xf32, #tpu.memory_space<hbm>> -> memref<40x16xf32, #tpu.memory_space<hbm>>
        tpu.wait_dma2 semaphore(%arg17 : memref<!tpu.dma_semaphore, #tpu.memory_space<semaphore_mem>>) src(%dma_wait3A_131 : memref<40x16xf32, #tpu.memory_space<hbm>>) dst(%arg9 : memref<40x16xf32, #tpu.memory_space<vmem>>)
      } else {
      }
      %add3A_59 = arith.constant 1 : i32
      %add3A_60 = arith.addi %add3A_56, %add3A_59 : i32
      %lt3A = arith.constant 250 : i32
      %lt3A_61 = arith.cmpi slt, %add3A_60, %lt3A : i32
      %convert_element_type3A_62 = arith.extui %lt3A_61 : i1 to i32
      %cond3A_63 = arith.constant 0 : i32
      %cond3A_64 = arith.cmpi ne, %convert_element_type3A_62, %cond3A_63 : i32
      scf.if %cond3A_64 {
        %mul3A_117 = arith.constant 10000 : i32
        %mul3A_118 = arith.muli %add3A, %mul3A_117 : i32
        %add3A_119 = arith.constant 1 : i32
        %add3A_120 = arith.addi %add3A_56, %add3A_119 : i32
        %mul3A_121 = arith.constant 40 : i32
        %mul3A_122 = arith.muli %add3A_120, %mul3A_121 : i32
        %add3A_123 = arith.addi %mul3A_118, %mul3A_122 : i32
        %dma_start3A_124 = arith.constant 0 : i32
        %dma_start3A_125 = tpu.memref_slice %arg2[%add3A_123, %dma_start3A_124] : memref<320000x128xf32, #tpu.memory_space<hbm>> -> memref<40x128xf32, #tpu.memory_space<hbm>>
        %dma_start3A_126 = arith.constant 0 : i32
        %dma_start3A_127 = tpu.memref_slice %arg2[%add3A_123, %dma_start3A_126] : memref<320000x128xf32, #tpu.memory_space<hbm>> -> memref<40x128xf32, #tpu.memory_space<hbm>>
        tpu.enqueue_dma source(%dma_start3A_127 : memref<40x128xf32, #tpu.memory_space<hbm>>) target(%arg8 : memref<40x128xf32, #tpu.memory_space<vmem>>) target_semaphore(%arg13 : memref<!tpu.dma_semaphore, #tpu.memory_space<semaphore_mem>>)
      } else {
      }
      %dma_wait3A_65 = arith.constant 0 : i32
      %dma_wait3A_66 = arith.constant 0 : i32
      %dma_wait3A_67 = tpu.memref_slice %arg2[%dma_wait3A_65, %dma_wait3A_66] : memref<320000x128xf32, #tpu.memory_space<hbm>> -> memref<40x128xf32, #tpu.memory_space<hbm>>
      %dma_wait3A_68 = arith.constant 0 : i32
      %dma_wait3A_69 = arith.constant 0 : i32
      %dma_wait3A_70 = tpu.memref_slice %arg2[%dma_wait3A_68, %dma_wait3A_69] : memref<320000x128xf32, #tpu.memory_space<hbm>> -> memref<40x128xf32, #tpu.memory_space<hbm>>
      tpu.wait_dma2 semaphore(%arg12 : memref<!tpu.dma_semaphore, #tpu.memory_space<semaphore_mem>>) src(%dma_wait3A_70 : memref<40x128xf32, #tpu.memory_space<hbm>>) dst(%arg7 : memref<40x128xf32, #tpu.memory_space<vmem>>)
      %dma_start3A_71 = arith.constant 0 : i32
      %dma_start3A_72 = tpu.memref_slice %arg6[%add3A_56, %dma_start3A_71] : memref<250x40xi32, #tpu.memory_space<vmem>> -> memref<1x40xi32, #tpu.memory_space<vmem>>
      %dma_start3A_73 = tpu.memref_squeeze %dma_start3A_72 : memref<1x40xi32, #tpu.memory_space<vmem>> -> memref<40xi32, #tpu.memory_space<vmem>>
      %dma_start3A_74 = arith.constant 0 : i32
      %dma_start3A_75 = arith.constant 0 : i32
      %dma_start3A_76 = tpu.memref_slice %arg10[%dma_start3A_74, %dma_start3A_75] : memref<10240x128xf32, #tpu.memory_space<vmem_shared>> -> memref<10240x128xf32, #tpu.memory_space<vmem_shared>>
      tpu.enqueue_indirect_dma source(%arg7 : memref<40x128xf32, #tpu.memory_space<vmem>>) target(%dma_start3A_76 : memref<10240x128xf32, #tpu.memory_space<vmem_shared>>) offsets(%dma_start3A_73 : memref<40xi32, #tpu.memory_space<vmem>>) semaphore(%arg14 : memref<!tpu.dma_semaphore, #tpu.memory_space<semaphore_mem>>) {add = true}
      %dma_start3A_77 = arith.constant 0 : i32
      %dma_start3A_78 = tpu.memref_slice %arg6[%add3A_56, %dma_start3A_77] : memref<250x40xi32, #tpu.memory_space<vmem>> -> memref<1x40xi32, #tpu.memory_space<vmem>>
      %dma_start3A_79 = tpu.memref_squeeze %dma_start3A_78 : memref<1x40xi32, #tpu.memory_space<vmem>> -> memref<40xi32, #tpu.memory_space<vmem>>
      %dma_start3A_80 = arith.constant 0 : i32
      %dma_start3A_81 = arith.constant 0 : i32
      %dma_start3A_82 = tpu.memref_slice %arg11[%dma_start3A_80, %dma_start3A_81] : memref<10240x16xf32, #tpu.memory_space<vmem_shared>> -> memref<10240x16xf32, #tpu.memory_space<vmem_shared>>
      tpu.enqueue_indirect_dma source(%arg9 : memref<40x16xf32, #tpu.memory_space<vmem>>) target(%dma_start3A_82 : memref<10240x16xf32, #tpu.memory_space<vmem_shared>>) offsets(%dma_start3A_79 : memref<40xi32, #tpu.memory_space<vmem>>) semaphore(%arg16 : memref<!tpu.dma_semaphore, #tpu.memory_space<semaphore_mem>>) {add = true}
      %mul3A_83 = arith.constant 2 : i32
      %mul3A_84 = arith.muli %mul3A_83, %scan3A_52 : i32
      %add3A_85 = arith.constant 1 : i32
      %add3A_86 = arith.addi %mul3A_84, %add3A_85 : i32
      %ge3A_87 = arith.constant 1 : i32
      %ge3A_88 = arith.cmpi sge, %add3A_86, %ge3A_87 : i32
      %convert_element_type3A_89 = arith.extui %ge3A_88 : i1 to i32
      %cond3A_90 = arith.constant 0 : i32
      %cond3A_91 = arith.cmpi ne, %convert_element_type3A_89, %cond3A_90 : i32
      scf.if %cond3A_91 {
        %dma_wait3A_117 = arith.constant 0 : i32
        %dma_wait3A_118 = arith.constant 0 : i32
        %dma_wait3A_119 = tpu.memref_slice %arg2[%dma_wait3A_117, %dma_wait3A_118] : memref<320000x128xf32, #tpu.memory_space<hbm>> -> memref<40x128xf32, #tpu.memory_space<hbm>>
        %dma_wait3A_120 = arith.constant 0 : i32
        %dma_wait3A_121 = arith.constant 0 : i32
        %dma_wait3A_122 = tpu.memref_slice %arg2[%dma_wait3A_120, %dma_wait3A_121] : memref<320000x128xf32, #tpu.memory_space<hbm>> -> memref<40x128xf32, #tpu.memory_space<hbm>>
        tpu.wait_dma2 semaphore(%arg14 : memref<!tpu.dma_semaphore, #tpu.memory_space<semaphore_mem>>) src(%dma_wait3A_122 : memref<40x128xf32, #tpu.memory_space<hbm>>) dst(%arg7 : memref<40x128xf32, #tpu.memory_space<vmem>>)
        %dma_wait3A_123 = arith.constant 0 : i32
        %dma_wait3A_124 = arith.constant 0 : i32
        %dma_wait3A_125 = arith.constant 0 : i32
        %dma_wait3A_126 = tpu.memref_slice %arg5[%dma_wait3A_123, %dma_wait3A_124, %dma_wait3A_125] : memref<2x10240x16xf32, #tpu.memory_space<hbm>> -> memref<1x40x16xf32, #tpu.memory_space<hbm>>
        %dma_wait3A_127 = tpu.memref_squeeze %dma_wait3A_126 : memref<1x40x16xf32, #tpu.memory_space<hbm>> -> memref<40x16xf32, #tpu.memory_space<hbm>>
        %dma_wait3A_128 = arith.constant 0 : i32
        %dma_wait3A_129 = arith.constant 0 : i32
        %dma_wait3A_130 = tpu.memref_slice %arg5[%dma_wait3A_123, %dma_wait3A_128, %dma_wait3A_129] : memref<2x10240x16xf32, #tpu.memory_space<hbm>> -> memref<1x40x16xf32, #tpu.memory_space<hbm>>
        %dma_wait3A_131 = tpu.memref_squeeze %dma_wait3A_130 : memref<1x40x16xf32, #tpu.memory_space<hbm>> -> memref<40x16xf32, #tpu.memory_space<hbm>>
        tpu.wait_dma2 semaphore(%arg16 : memref<!tpu.dma_semaphore, #tpu.memory_space<semaphore_mem>>) src(%dma_wait3A_131 : memref<40x16xf32, #tpu.memory_space<hbm>>) dst(%arg9 : memref<40x16xf32, #tpu.memory_space<vmem>>)
      } else {
      }
      %add3A_92 = arith.constant 1 : i32
      %add3A_93 = arith.addi %add3A_86, %add3A_92 : i32
      %lt3A_94 = arith.constant 250 : i32
      %lt3A_95 = arith.cmpi slt, %add3A_93, %lt3A_94 : i32
      %convert_element_type3A_96 = arith.extui %lt3A_95 : i1 to i32
      %cond3A_97 = arith.constant 0 : i32
      %cond3A_98 = arith.cmpi ne, %convert_element_type3A_96, %cond3A_97 : i32
      scf.if %cond3A_98 {
        %mul3A_117 = arith.constant 10000 : i32
        %mul3A_118 = arith.muli %add3A, %mul3A_117 : i32
        %add3A_119 = arith.constant 1 : i32
        %add3A_120 = arith.addi %add3A_86, %add3A_119 : i32
        %mul3A_121 = arith.constant 40 : i32
        %mul3A_122 = arith.muli %add3A_120, %mul3A_121 : i32
        %add3A_123 = arith.addi %mul3A_118, %mul3A_122 : i32
        %dma_start3A_124 = arith.constant 0 : i32
        %dma_start3A_125 = tpu.memref_slice %arg2[%add3A_123, %dma_start3A_124] : memref<320000x128xf32, #tpu.memory_space<hbm>> -> memref<40x128xf32, #tpu.memory_space<hbm>>
        %dma_start3A_126 = arith.constant 0 : i32
        %dma_start3A_127 = tpu.memref_slice %arg2[%add3A_123, %dma_start3A_126] : memref<320000x128xf32, #tpu.memory_space<hbm>> -> memref<40x128xf32, #tpu.memory_space<hbm>>
        tpu.enqueue_dma source(%dma_start3A_127 : memref<40x128xf32, #tpu.memory_space<hbm>>) target(%arg7 : memref<40x128xf32, #tpu.memory_space<vmem>>) target_semaphore(%arg12 : memref<!tpu.dma_semaphore, #tpu.memory_space<semaphore_mem>>)
      } else {
      }
      %dma_wait3A_99 = arith.constant 0 : i32
      %dma_wait3A_100 = arith.constant 0 : i32
      %dma_wait3A_101 = tpu.memref_slice %arg2[%dma_wait3A_99, %dma_wait3A_100] : memref<320000x128xf32, #tpu.memory_space<hbm>> -> memref<40x128xf32, #tpu.memory_space<hbm>>
      %dma_wait3A_102 = arith.constant 0 : i32
      %dma_wait3A_103 = arith.constant 0 : i32
      %dma_wait3A_104 = tpu.memref_slice %arg2[%dma_wait3A_102, %dma_wait3A_103] : memref<320000x128xf32, #tpu.memory_space<hbm>> -> memref<40x128xf32, #tpu.memory_space<hbm>>
      tpu.wait_dma2 semaphore(%arg13 : memref<!tpu.dma_semaphore, #tpu.memory_space<semaphore_mem>>) src(%dma_wait3A_104 : memref<40x128xf32, #tpu.memory_space<hbm>>) dst(%arg8 : memref<40x128xf32, #tpu.memory_space<vmem>>)
      %dma_start3A_105 = arith.constant 0 : i32
      %dma_start3A_106 = tpu.memref_slice %arg6[%add3A_86, %dma_start3A_105] : memref<250x40xi32, #tpu.memory_space<vmem>> -> memref<1x40xi32, #tpu.memory_space<vmem>>
      %dma_start3A_107 = tpu.memref_squeeze %dma_start3A_106 : memref<1x40xi32, #tpu.memory_space<vmem>> -> memref<40xi32, #tpu.memory_space<vmem>>
      %dma_start3A_108 = arith.constant 0 : i32
      %dma_start3A_109 = arith.constant 0 : i32
      %dma_start3A_110 = tpu.memref_slice %arg10[%dma_start3A_108, %dma_start3A_109] : memref<10240x128xf32, #tpu.memory_space<vmem_shared>> -> memref<10240x128xf32, #tpu.memory_space<vmem_shared>>
      tpu.enqueue_indirect_dma source(%arg8 : memref<40x128xf32, #tpu.memory_space<vmem>>) target(%dma_start3A_110 : memref<10240x128xf32, #tpu.memory_space<vmem_shared>>) offsets(%dma_start3A_107 : memref<40xi32, #tpu.memory_space<vmem>>) semaphore(%arg15 : memref<!tpu.dma_semaphore, #tpu.memory_space<semaphore_mem>>) {add = true}
      %dma_start3A_111 = arith.constant 0 : i32
      %dma_start3A_112 = tpu.memref_slice %arg6[%add3A_86, %dma_start3A_111] : memref<250x40xi32, #tpu.memory_space<vmem>> -> memref<1x40xi32, #tpu.memory_space<vmem>>
      %dma_start3A_113 = tpu.memref_squeeze %dma_start3A_112 : memref<1x40xi32, #tpu.memory_space<vmem>> -> memref<40xi32, #tpu.memory_space<vmem>>
      %dma_start3A_114 = arith.constant 0 : i32
      %dma_start3A_115 = arith.constant 0 : i32
      %dma_start3A_116 = tpu.memref_slice %arg11[%dma_start3A_114, %dma_start3A_115] : memref<10240x16xf32, #tpu.memory_space<vmem_shared>> -> memref<10240x16xf32, #tpu.memory_space<vmem_shared>>
      tpu.enqueue_indirect_dma source(%arg9 : memref<40x16xf32, #tpu.memory_space<vmem>>) target(%dma_start3A_116 : memref<10240x16xf32, #tpu.memory_space<vmem_shared>>) offsets(%dma_start3A_113 : memref<40xi32, #tpu.memory_space<vmem>>) semaphore(%arg17 : memref<!tpu.dma_semaphore, #tpu.memory_space<semaphore_mem>>) {add = true}
    }
    %scan3A_28 = arith.constant 125 : i32
    %dma_wait3A = arith.constant 0 : i32
    %dma_wait3A_29 = arith.constant 0 : i32
    %dma_wait3A_30 = tpu.memref_slice %arg2[%dma_wait3A, %dma_wait3A_29] : memref<320000x128xf32, #tpu.memory_space<hbm>> -> memref<40x128xf32, #tpu.memory_space<hbm>>
    %dma_wait3A_31 = arith.constant 0 : i32
    %dma_wait3A_32 = arith.constant 0 : i32
    %dma_wait3A_33 = tpu.memref_slice %arg2[%dma_wait3A_31, %dma_wait3A_32] : memref<320000x128xf32, #tpu.memory_space<hbm>> -> memref<40x128xf32, #tpu.memory_space<hbm>>
    tpu.wait_dma2 semaphore(%arg15 : memref<!tpu.dma_semaphore, #tpu.memory_space<semaphore_mem>>) src(%dma_wait3A_33 : memref<40x128xf32, #tpu.memory_space<hbm>>) dst(%arg8 : memref<40x128xf32, #tpu.memory_space<vmem>>)
    %dma_wait3A_34 = arith.constant 0 : i32
    %dma_wait3A_35 = arith.constant 0 : i32
    %dma_wait3A_36 = arith.constant 0 : i32
    %dma_wait3A_37 = tpu.memref_slice %arg5[%dma_wait3A_34, %dma_wait3A_35, %dma_wait3A_36] : memref<2x10240x16xf32, #tpu.memory_space<hbm>> -> memref<1x40x16xf32, #tpu.memory_space<hbm>>
    %dma_wait3A_38 = tpu.memref_squeeze %dma_wait3A_37 : memref<1x40x16xf32, #tpu.memory_space<hbm>> -> memref<40x16xf32, #tpu.memory_space<hbm>>
    %dma_wait3A_39 = arith.constant 0 : i32
    %dma_wait3A_40 = arith.constant 0 : i32
    %dma_wait3A_41 = tpu.memref_slice %arg5[%dma_wait3A_34, %dma_wait3A_39, %dma_wait3A_40] : memref<2x10240x16xf32, #tpu.memory_space<hbm>> -> memref<1x40x16xf32, #tpu.memory_space<hbm>>
    %dma_wait3A_42 = tpu.memref_squeeze %dma_wait3A_41 : memref<1x40x16xf32, #tpu.memory_space<hbm>> -> memref<40x16xf32, #tpu.memory_space<hbm>>
    tpu.wait_dma2 semaphore(%arg17 : memref<!tpu.dma_semaphore, #tpu.memory_space<semaphore_mem>>) src(%dma_wait3A_42 : memref<40x16xf32, #tpu.memory_space<hbm>>) dst(%arg9 : memref<40x16xf32, #tpu.memory_space<vmem>>)
    %barrier3A_43 = arith.constant 0 : index
    tpu.barrier barrier_id(%barrier3A_43)
    %mul3A_44 = arith.constant 640 : i32
    %mul3A_45 = arith.muli %arg1, %mul3A_44 : i32
    %mul3A_46 = arith.constant 640 : i32
    %mul3A_47 = arith.muli %arg1, %mul3A_46 : i32
    "tpu.region"() ({
      %run_scoped3A = tpu.sem_alloc : memref<!tpu.dma_semaphore, #tpu.memory_space<semaphore_mem>>
      %dma_start3A_52 = arith.constant 0 : i32
      %dma_start3A_53 = tpu.memref_slice %arg4[%arg0, %mul3A_47, %dma_start3A_52] : memref<2x10240x128xf32, #tpu.memory_space<hbm>> -> memref<1x640x128xf32, #tpu.memory_space<hbm>>
      %dma_start3A_54 = tpu.memref_squeeze %dma_start3A_53 : memref<1x640x128xf32, #tpu.memory_space<hbm>> -> memref<640x128xf32, #tpu.memory_space<hbm>>
      %dma_start3A_55 = arith.constant 0 : i32
      %dma_start3A_56 = tpu.memref_slice %arg10[%mul3A_45, %dma_start3A_55] : memref<10240x128xf32, #tpu.memory_space<vmem_shared>> -> memref<640x128xf32, #tpu.memory_space<vmem_shared>>
      tpu.enqueue_dma source(%dma_start3A_56 : memref<640x128xf32, #tpu.memory_space<vmem_shared>>) target(%dma_start3A_54 : memref<640x128xf32, #tpu.memory_space<hbm>>) target_semaphore(%run_scoped3A : memref<!tpu.dma_semaphore, #tpu.memory_space<semaphore_mem>>)
      %dma_wait3A_57 = arith.constant 0 : i32
      %dma_wait3A_58 = tpu.memref_slice %arg4[%arg0, %mul3A_47, %dma_wait3A_57] : memref<2x10240x128xf32, #tpu.memory_space<hbm>> -> memref<1x640x128xf32, #tpu.memory_space<hbm>>
      %dma_wait3A_59 = tpu.memref_squeeze %dma_wait3A_58 : memref<1x640x128xf32, #tpu.memory_space<hbm>> -> memref<640x128xf32, #tpu.memory_space<hbm>>
      %dma_wait3A_60 = arith.constant 0 : i32
      %dma_wait3A_61 = tpu.memref_slice %arg10[%mul3A_45, %dma_wait3A_60] : memref<10240x128xf32, #tpu.memory_space<vmem_shared>> -> memref<640x128xf32, #tpu.memory_space<vmem_shared>>
      tpu.wait_dma2 semaphore(%run_scoped3A : memref<!tpu.dma_semaphore, #tpu.memory_space<semaphore_mem>>) src(%dma_wait3A_61 : memref<640x128xf32, #tpu.memory_space<vmem_shared>>) dst(%dma_wait3A_59 : memref<640x128xf32, #tpu.memory_space<hbm>>)
      tpu.yield
    }) : () -> ()
    %mul3A_48 = arith.constant 640 : i32
    %mul3A_49 = arith.muli %arg1, %mul3A_48 : i32
    %mul3A_50 = arith.constant 640 : i32
    %mul3A_51 = arith.muli %arg1, %mul3A_50 : i32
    "tpu.region"() ({
      %run_scoped3A = tpu.sem_alloc : memref<!tpu.dma_semaphore, #tpu.memory_space<semaphore_mem>>
      %dma_start3A_52 = arith.constant 0 : i32
      %dma_start3A_53 = tpu.memref_slice %arg5[%arg0, %mul3A_51, %dma_start3A_52] : memref<2x10240x16xf32, #tpu.memory_space<hbm>> -> memref<1x640x16xf32, #tpu.memory_space<hbm>>
      %dma_start3A_54 = tpu.memref_squeeze %dma_start3A_53 : memref<1x640x16xf32, #tpu.memory_space<hbm>> -> memref<640x16xf32, #tpu.memory_space<hbm>>
      %dma_start3A_55 = arith.constant 0 : i32
      %dma_start3A_56 = tpu.memref_slice %arg11[%mul3A_49, %dma_start3A_55] : memref<10240x16xf32, #tpu.memory_space<vmem_shared>> -> memref<640x16xf32, #tpu.memory_space<vmem_shared>>
      tpu.enqueue_dma source(%dma_start3A_56 : memref<640x16xf32, #tpu.memory_space<vmem_shared>>) target(%dma_start3A_54 : memref<640x16xf32, #tpu.memory_space<hbm>>) target_semaphore(%run_scoped3A : memref<!tpu.dma_semaphore, #tpu.memory_space<semaphore_mem>>)
      %dma_wait3A_57 = arith.constant 0 : i32
      %dma_wait3A_58 = tpu.memref_slice %arg5[%arg0, %mul3A_51, %dma_wait3A_57] : memref<2x10240x16xf32, #tpu.memory_space<hbm>> -> memref<1x640x16xf32, #tpu.memory_space<hbm>>
      %dma_wait3A_59 = tpu.memref_squeeze %dma_wait3A_58 : memref<1x640x16xf32, #tpu.memory_space<hbm>> -> memref<640x16xf32, #tpu.memory_space<hbm>>
      %dma_wait3A_60 = arith.constant 0 : i32
      %dma_wait3A_61 = tpu.memref_slice %arg11[%mul3A_49, %dma_wait3A_60] : memref<10240x16xf32, #tpu.memory_space<vmem_shared>> -> memref<640x16xf32, #tpu.memory_space<vmem_shared>>
      tpu.wait_dma2 semaphore(%run_scoped3A : memref<!tpu.dma_semaphore, #tpu.memory_space<semaphore_mem>>) src(%dma_wait3A_61 : memref<640x16xf32, #tpu.memory_space<vmem_shared>>) dst(%dma_wait3A_59 : memref<640x16xf32, #tpu.memory_space<hbm>>)
      tpu.yield
    }) : () -> ()
    return
  }
}

module attributes {stable_mosaic.version = 14 : i64} {
  func.func @body(%arg0: i32, %arg1: memref<512x128xf32, #tpu.memory_space<vmem>>, %arg2: memref<512x32xf32, #tpu.memory_space<vmem>>, %arg3: memref<128x128xf32, #tpu.memory_space<vmem>>, %arg4: memref<128x128xf32, #tpu.memory_space<vmem>>, %arg5: memref<64x16xf32, #tpu.memory_space<vmem>>, %arg6: memref<16x128xf32, #tpu.memory_space<vmem>>, %arg7: memref<512x160xbf16, #tpu.memory_space<vmem>>, %arg8: memref<512x160xbf16, #tpu.memory_space<vmem>>, %arg9: memref<64x128xf32, #tpu.memory_space<vmem>>) attributes {dimension_semantics = [#tpu.dimension_semantics<arbitrary>], iteration_bounds = array<i64: 20>, scalar_prefetch = 0 : i64, scratch_operands = 0 : i64, tpu.core_type = #tpu.core_type<tc>, window_params = [{transform_indices = @transform_0, window_bounds = array<i64: 512, 128>}, {transform_indices = @transform_1, window_bounds = array<i64: 512, 32>}, {pipeline_mode = #tpu.pipeline_mode<synchronous>, transform_indices = @transform_2, window_bounds = array<i64: 128, 128>}, {pipeline_mode = #tpu.pipeline_mode<synchronous>, transform_indices = @transform_3, window_bounds = array<i64: 128, 128>}, {pipeline_mode = #tpu.pipeline_mode<synchronous>, transform_indices = @transform_4, window_bounds = array<i64: 64, 16>}, {pipeline_mode = #tpu.pipeline_mode<synchronous>, transform_indices = @transform_5, window_bounds = array<i64: 16, 128>}, {transform_indices = @transform_6, window_bounds = array<i64: 512, 160>}, {transform_indices = @transform_7, window_bounds = array<i64: 512, 160>}, {pipeline_mode = #tpu.pipeline_mode<synchronous>, transform_indices = @transform_8, window_bounds = array<i64: 64, 128>}]} {
    %get3A = arith.constant 0 : index
    %get3A_0 = arith.constant 0 : index
    %get3A_1 = vector.load %arg1[%get3A, %get3A_0] : memref<512x128xf32, #tpu.memory_space<vmem>>, vector<512x128xf32>
    %get3A_2 = arith.constant 0 : index
    %get3A_3 = arith.constant 0 : index
    %get3A_4 = vector.load %arg2[%get3A_2, %get3A_3] : memref<512x32xf32, #tpu.memory_space<vmem>>, vector<512x32xf32>
    %get3A_5 = arith.constant 0 : index
    %get3A_6 = arith.constant 0 : index
    %get3A_7 = vector.load %arg3[%get3A_5, %get3A_6] : memref<128x128xf32, #tpu.memory_space<vmem>>, vector<128x128xf32>
    %dot_general3A = arith.constant dense<0.000000e+00> : vector<512x128xf32>
    %dot_general3A_8 = tpu.matmul %get3A_1, %get3A_7, %dot_general3A {dimension_numbers = #tpu.dot_dimension_numbers<[1], [0], [0], [1], [0, 0, 1, 1], [], []>, transpose_lhs_hint = false} : vector<512x128xf32>, vector<128x128xf32>, vector<512x128xf32> -> vector<512x128xf32>
    %convert_element_type3A = arith.truncf %dot_general3A_8 : vector<512x128xf32> to vector<512x128xbf16>
    %swap3A = arith.constant 0 : index
    %swap3A_9 = arith.constant 0 : index
    %swap3A_10 = vector.load %arg7[%swap3A, %swap3A_9] : memref<512x160xbf16, #tpu.memory_space<vmem>>, vector<512x128xbf16>
    tpu.vector_store %arg7[%swap3A, %swap3A_9], %convert_element_type3A {strides = array<i32>} : memref<512x160xbf16, #tpu.memory_space<vmem>>, vector<512x128xbf16>,
    %neg3A = arith.constant 0.000000e+00 : f32
    %neg3A_11 = vector.broadcast %neg3A : f32 to vector<512x32xf32>
    %neg3A_12 = arith.subf %neg3A_11, %get3A_4 : vector<512x32xf32>
    %convert_element_type3A_13 = arith.truncf %neg3A_12 : vector<512x32xf32> to vector<512x32xbf16>
    %swap3A_14 = arith.constant 0 : index
    %swap3A_15 = arith.constant 128 : index
    %swap3A_16 = vector.load %arg7[%swap3A_14, %swap3A_15] : memref<512x160xbf16, #tpu.memory_space<vmem>>, vector<512x32xbf16>
    tpu.vector_store %arg7[%swap3A_14, %swap3A_15], %convert_element_type3A_13 {strides = array<i32>} : memref<512x160xbf16, #tpu.memory_space<vmem>>, vector<512x32xbf16>,
    %get3A_17 = arith.constant 0 : index
    %get3A_18 = arith.constant 0 : index
    %get3A_19 = vector.load %arg4[%get3A_17, %get3A_18] : memref<128x128xf32, #tpu.memory_space<vmem>>, vector<128x128xf32>
    %dot_general3A_20 = arith.constant dense<0.000000e+00> : vector<512x128xf32>
    %dot_general3A_21 = tpu.matmul %get3A_1, %get3A_19, %dot_general3A_20 {dimension_numbers = #tpu.dot_dimension_numbers<[1], [0], [0], [1], [0, 0, 1, 1], [], []>, transpose_lhs_hint = false} : vector<512x128xf32>, vector<128x128xf32>, vector<512x128xf32> -> vector<512x128xf32>
    %convert_element_type3A_22 = arith.truncf %dot_general3A_21 : vector<512x128xf32> to vector<512x128xbf16>
    %swap3A_23 = arith.constant 0 : index
    %swap3A_24 = arith.constant 0 : index
    %swap3A_25 = vector.load %arg8[%swap3A_23, %swap3A_24] : memref<512x160xbf16, #tpu.memory_space<vmem>>, vector<512x128xbf16>
    tpu.vector_store %arg8[%swap3A_23, %swap3A_24], %convert_element_type3A_22 {strides = array<i32>} : memref<512x160xbf16, #tpu.memory_space<vmem>>, vector<512x128xbf16>,
    %convert_element_type3A_26 = arith.truncf %get3A_4 : vector<512x32xf32> to vector<512x32xbf16>
    %swap3A_27 = arith.constant 0 : index
    %swap3A_28 = arith.constant 128 : index
    %swap3A_29 = vector.load %arg8[%swap3A_27, %swap3A_28] : memref<512x160xbf16, #tpu.memory_space<vmem>>, vector<512x32xbf16>
    tpu.vector_store %arg8[%swap3A_27, %swap3A_28], %convert_element_type3A_26 {strides = array<i32>} : memref<512x160xbf16, #tpu.memory_space<vmem>>, vector<512x32xbf16>,
    %get3A_30 = arith.constant 0 : index
    %get3A_31 = arith.constant 0 : index
    %get3A_32 = vector.load %arg5[%get3A_30, %get3A_31] : memref<64x16xf32, #tpu.memory_space<vmem>>, vector<64x16xf32>
    %slice3A = vector.extract_strided_slice %get3A_32 {offsets = [0, 0], sizes = [64, 1], strides = [1, 1]} : vector<64x16xf32> to vector<64x1xf32>
    %slice3A_33 = vector.extract_strided_slice %get3A_32 {offsets = [0, 0], sizes = [64, 1], strides = [1, 1]} : vector<64x16xf32> to vector<64x1xf32>
    %mul3A = arith.mulf %slice3A, %slice3A_33 : vector<64x1xf32>
    %slice3A_34 = vector.extract_strided_slice %get3A_32 {offsets = [0, 1], sizes = [64, 1], strides = [1, 1]} : vector<64x16xf32> to vector<64x1xf32>
    %slice3A_35 = vector.extract_strided_slice %get3A_32 {offsets = [0, 1], sizes = [64, 1], strides = [1, 1]} : vector<64x16xf32> to vector<64x1xf32>
    %mul3A_36 = arith.mulf %slice3A_34, %slice3A_35 : vector<64x1xf32>
    %add3A = arith.addf %mul3A, %mul3A_36 : vector<64x1xf32>
    %slice3A_37 = vector.extract_strided_slice %get3A_32 {offsets = [0, 2], sizes = [64, 1], strides = [1, 1]} : vector<64x16xf32> to vector<64x1xf32>
    %slice3A_38 = vector.extract_strided_slice %get3A_32 {offsets = [0, 2], sizes = [64, 1], strides = [1, 1]} : vector<64x16xf32> to vector<64x1xf32>
    %mul3A_39 = arith.mulf %slice3A_37, %slice3A_38 : vector<64x1xf32>
    %add3A_40 = arith.addf %add3A, %mul3A_39 : vector<64x1xf32>
    %slice3A_41 = vector.extract_strided_slice %get3A_32 {offsets = [0, 0], sizes = [64, 1], strides = [1, 1]} : vector<64x16xf32> to vector<64x1xf32>
    %slice3A_42 = vector.extract_strided_slice %get3A_32 {offsets = [0, 3], sizes = [64, 1], strides = [1, 1]} : vector<64x16xf32> to vector<64x1xf32>
    %mul3A_43 = arith.mulf %slice3A_41, %slice3A_42 : vector<64x1xf32>
    %slice3A_44 = vector.extract_strided_slice %get3A_32 {offsets = [0, 1], sizes = [64, 1], strides = [1, 1]} : vector<64x16xf32> to vector<64x1xf32>
    %slice3A_45 = vector.extract_strided_slice %get3A_32 {offsets = [0, 4], sizes = [64, 1], strides = [1, 1]} : vector<64x16xf32> to vector<64x1xf32>
    %mul3A_46 = arith.mulf %slice3A_44, %slice3A_45 : vector<64x1xf32>
    %add3A_47 = arith.addf %mul3A_43, %mul3A_46 : vector<64x1xf32>
    %slice3A_48 = vector.extract_strided_slice %get3A_32 {offsets = [0, 2], sizes = [64, 1], strides = [1, 1]} : vector<64x16xf32> to vector<64x1xf32>
    %slice3A_49 = vector.extract_strided_slice %get3A_32 {offsets = [0, 5], sizes = [64, 1], strides = [1, 1]} : vector<64x16xf32> to vector<64x1xf32>
    %mul3A_50 = arith.mulf %slice3A_48, %slice3A_49 : vector<64x1xf32>
    %add3A_51 = arith.addf %add3A_47, %mul3A_50 : vector<64x1xf32>
    %slice3A_52 = vector.extract_strided_slice %get3A_32 {offsets = [0, 0], sizes = [64, 1], strides = [1, 1]} : vector<64x16xf32> to vector<64x1xf32>
    %slice3A_53 = vector.extract_strided_slice %get3A_32 {offsets = [0, 6], sizes = [64, 1], strides = [1, 1]} : vector<64x16xf32> to vector<64x1xf32>
    %mul3A_54 = arith.mulf %slice3A_52, %slice3A_53 : vector<64x1xf32>
    %slice3A_55 = vector.extract_strided_slice %get3A_32 {offsets = [0, 1], sizes = [64, 1], strides = [1, 1]} : vector<64x16xf32> to vector<64x1xf32>
    %slice3A_56 = vector.extract_strided_slice %get3A_32 {offsets = [0, 7], sizes = [64, 1], strides = [1, 1]} : vector<64x16xf32> to vector<64x1xf32>
    %mul3A_57 = arith.mulf %slice3A_55, %slice3A_56 : vector<64x1xf32>
    %add3A_58 = arith.addf %mul3A_54, %mul3A_57 : vector<64x1xf32>
    %slice3A_59 = vector.extract_strided_slice %get3A_32 {offsets = [0, 2], sizes = [64, 1], strides = [1, 1]} : vector<64x16xf32> to vector<64x1xf32>
    %slice3A_60 = vector.extract_strided_slice %get3A_32 {offsets = [0, 8], sizes = [64, 1], strides = [1, 1]} : vector<64x16xf32> to vector<64x1xf32>
    %mul3A_61 = arith.mulf %slice3A_59, %slice3A_60 : vector<64x1xf32>
    %add3A_62 = arith.addf %add3A_58, %mul3A_61 : vector<64x1xf32>
    %slice3A_63 = vector.extract_strided_slice %get3A_32 {offsets = [0, 3], sizes = [64, 1], strides = [1, 1]} : vector<64x16xf32> to vector<64x1xf32>
    %slice3A_64 = vector.extract_strided_slice %get3A_32 {offsets = [0, 0], sizes = [64, 1], strides = [1, 1]} : vector<64x16xf32> to vector<64x1xf32>
    %mul3A_65 = arith.mulf %slice3A_63, %slice3A_64 : vector<64x1xf32>
    %slice3A_66 = vector.extract_strided_slice %get3A_32 {offsets = [0, 4], sizes = [64, 1], strides = [1, 1]} : vector<64x16xf32> to vector<64x1xf32>
    %slice3A_67 = vector.extract_strided_slice %get3A_32 {offsets = [0, 1], sizes = [64, 1], strides = [1, 1]} : vector<64x16xf32> to vector<64x1xf32>
    %mul3A_68 = arith.mulf %slice3A_66, %slice3A_67 : vector<64x1xf32>
    %add3A_69 = arith.addf %mul3A_65, %mul3A_68 : vector<64x1xf32>
    %slice3A_70 = vector.extract_strided_slice %get3A_32 {offsets = [0, 5], sizes = [64, 1], strides = [1, 1]} : vector<64x16xf32> to vector<64x1xf32>
    %slice3A_71 = vector.extract_strided_slice %get3A_32 {offsets = [0, 2], sizes = [64, 1], strides = [1, 1]} : vector<64x16xf32> to vector<64x1xf32>
    %mul3A_72 = arith.mulf %slice3A_70, %slice3A_71 : vector<64x1xf32>
    %add3A_73 = arith.addf %add3A_69, %mul3A_72 : vector<64x1xf32>
    %slice3A_74 = vector.extract_strided_slice %get3A_32 {offsets = [0, 3], sizes = [64, 1], strides = [1, 1]} : vector<64x16xf32> to vector<64x1xf32>
    %slice3A_75 = vector.extract_strided_slice %get3A_32 {offsets = [0, 3], sizes = [64, 1], strides = [1, 1]} : vector<64x16xf32> to vector<64x1xf32>
    %mul3A_76 = arith.mulf %slice3A_74, %slice3A_75 : vector<64x1xf32>
    %slice3A_77 = vector.extract_strided_slice %get3A_32 {offsets = [0, 4], sizes = [64, 1], strides = [1, 1]} : vector<64x16xf32> to vector<64x1xf32>
    %slice3A_78 = vector.extract_strided_slice %get3A_32 {offsets = [0, 4], sizes = [64, 1], strides = [1, 1]} : vector<64x16xf32> to vector<64x1xf32>
    %mul3A_79 = arith.mulf %slice3A_77, %slice3A_78 : vector<64x1xf32>
    %add3A_80 = arith.addf %mul3A_76, %mul3A_79 : vector<64x1xf32>
    %slice3A_81 = vector.extract_strided_slice %get3A_32 {offsets = [0, 5], sizes = [64, 1], strides = [1, 1]} : vector<64x16xf32> to vector<64x1xf32>
    %slice3A_82 = vector.extract_strided_slice %get3A_32 {offsets = [0, 5], sizes = [64, 1], strides = [1, 1]} : vector<64x16xf32> to vector<64x1xf32>
    %mul3A_83 = arith.mulf %slice3A_81, %slice3A_82 : vector<64x1xf32>
    %add3A_84 = arith.addf %add3A_80, %mul3A_83 : vector<64x1xf32>
    %slice3A_85 = vector.extract_strided_slice %get3A_32 {offsets = [0, 3], sizes = [64, 1], strides = [1, 1]} : vector<64x16xf32> to vector<64x1xf32>
    %slice3A_86 = vector.extract_strided_slice %get3A_32 {offsets = [0, 6], sizes = [64, 1], strides = [1, 1]} : vector<64x16xf32> to vector<64x1xf32>
    %mul3A_87 = arith.mulf %slice3A_85, %slice3A_86 : vector<64x1xf32>
    %slice3A_88 = vector.extract_strided_slice %get3A_32 {offsets = [0, 4], sizes = [64, 1], strides = [1, 1]} : vector<64x16xf32> to vector<64x1xf32>
    %slice3A_89 = vector.extract_strided_slice %get3A_32 {offsets = [0, 7], sizes = [64, 1], strides = [1, 1]} : vector<64x16xf32> to vector<64x1xf32>
    %mul3A_90 = arith.mulf %slice3A_88, %slice3A_89 : vector<64x1xf32>
    %add3A_91 = arith.addf %mul3A_87, %mul3A_90 : vector<64x1xf32>
    %slice3A_92 = vector.extract_strided_slice %get3A_32 {offsets = [0, 5], sizes = [64, 1], strides = [1, 1]} : vector<64x16xf32> to vector<64x1xf32>
    %slice3A_93 = vector.extract_strided_slice %get3A_32 {offsets = [0, 8], sizes = [64, 1], strides = [1, 1]} : vector<64x16xf32> to vector<64x1xf32>
    %mul3A_94 = arith.mulf %slice3A_92, %slice3A_93 : vector<64x1xf32>
    %add3A_95 = arith.addf %add3A_91, %mul3A_94 : vector<64x1xf32>
    %slice3A_96 = vector.extract_strided_slice %get3A_32 {offsets = [0, 6], sizes = [64, 1], strides = [1, 1]} : vector<64x16xf32> to vector<64x1xf32>
    %slice3A_97 = vector.extract_strided_slice %get3A_32 {offsets = [0, 0], sizes = [64, 1], strides = [1, 1]} : vector<64x16xf32> to vector<64x1xf32>
    %mul3A_98 = arith.mulf %slice3A_96, %slice3A_97 : vector<64x1xf32>
    %slice3A_99 = vector.extract_strided_slice %get3A_32 {offsets = [0, 7], sizes = [64, 1], strides = [1, 1]} : vector<64x16xf32> to vector<64x1xf32>
    %slice3A_100 = vector.extract_strided_slice %get3A_32 {offsets = [0, 1], sizes = [64, 1], strides = [1, 1]} : vector<64x16xf32> to vector<64x1xf32>
    %mul3A_101 = arith.mulf %slice3A_99, %slice3A_100 : vector<64x1xf32>
    %add3A_102 = arith.addf %mul3A_98, %mul3A_101 : vector<64x1xf32>
    %slice3A_103 = vector.extract_strided_slice %get3A_32 {offsets = [0, 8], sizes = [64, 1], strides = [1, 1]} : vector<64x16xf32> to vector<64x1xf32>
    %slice3A_104 = vector.extract_strided_slice %get3A_32 {offsets = [0, 2], sizes = [64, 1], strides = [1, 1]} : vector<64x16xf32> to vector<64x1xf32>
    %mul3A_105 = arith.mulf %slice3A_103, %slice3A_104 : vector<64x1xf32>
    %add3A_106 = arith.addf %add3A_102, %mul3A_105 : vector<64x1xf32>
    %slice3A_107 = vector.extract_strided_slice %get3A_32 {offsets = [0, 6], sizes = [64, 1], strides = [1, 1]} : vector<64x16xf32> to vector<64x1xf32>
    %slice3A_108 = vector.extract_strided_slice %get3A_32 {offsets = [0, 3], sizes = [64, 1], strides = [1, 1]} : vector<64x16xf32> to vector<64x1xf32>
    %mul3A_109 = arith.mulf %slice3A_107, %slice3A_108 : vector<64x1xf32>
    %slice3A_110 = vector.extract_strided_slice %get3A_32 {offsets = [0, 7], sizes = [64, 1], strides = [1, 1]} : vector<64x16xf32> to vector<64x1xf32>
    %slice3A_111 = vector.extract_strided_slice %get3A_32 {offsets = [0, 4], sizes = [64, 1], strides = [1, 1]} : vector<64x16xf32> to vector<64x1xf32>
    %mul3A_112 = arith.mulf %slice3A_110, %slice3A_111 : vector<64x1xf32>
    %add3A_113 = arith.addf %mul3A_109, %mul3A_112 : vector<64x1xf32>
    %slice3A_114 = vector.extract_strided_slice %get3A_32 {offsets = [0, 8], sizes = [64, 1], strides = [1, 1]} : vector<64x16xf32> to vector<64x1xf32>
    %slice3A_115 = vector.extract_strided_slice %get3A_32 {offsets = [0, 5], sizes = [64, 1], strides = [1, 1]} : vector<64x16xf32> to vector<64x1xf32>
    %mul3A_116 = arith.mulf %slice3A_114, %slice3A_115 : vector<64x1xf32>
    %add3A_117 = arith.addf %add3A_113, %mul3A_116 : vector<64x1xf32>
    %slice3A_118 = vector.extract_strided_slice %get3A_32 {offsets = [0, 6], sizes = [64, 1], strides = [1, 1]} : vector<64x16xf32> to vector<64x1xf32>
    %slice3A_119 = vector.extract_strided_slice %get3A_32 {offsets = [0, 6], sizes = [64, 1], strides = [1, 1]} : vector<64x16xf32> to vector<64x1xf32>
    %mul3A_120 = arith.mulf %slice3A_118, %slice3A_119 : vector<64x1xf32>
    %slice3A_121 = vector.extract_strided_slice %get3A_32 {offsets = [0, 7], sizes = [64, 1], strides = [1, 1]} : vector<64x16xf32> to vector<64x1xf32>
    %slice3A_122 = vector.extract_strided_slice %get3A_32 {offsets = [0, 7], sizes = [64, 1], strides = [1, 1]} : vector<64x16xf32> to vector<64x1xf32>
    %mul3A_123 = arith.mulf %slice3A_121, %slice3A_122 : vector<64x1xf32>
    %add3A_124 = arith.addf %mul3A_120, %mul3A_123 : vector<64x1xf32>
    %slice3A_125 = vector.extract_strided_slice %get3A_32 {offsets = [0, 8], sizes = [64, 1], strides = [1, 1]} : vector<64x16xf32> to vector<64x1xf32>
    %slice3A_126 = vector.extract_strided_slice %get3A_32 {offsets = [0, 8], sizes = [64, 1], strides = [1, 1]} : vector<64x16xf32> to vector<64x1xf32>
    %mul3A_127 = arith.mulf %slice3A_125, %slice3A_126 : vector<64x1xf32>
    %add3A_128 = arith.addf %add3A_124, %mul3A_127 : vector<64x1xf32>
    %broadcast_in_dim3A = arith.constant 0.000000e+00 : f32
    %broadcast_in_dim3A_129 = vector.broadcast %broadcast_in_dim3A : f32 to vector<64x7xf32>
    %concatenate3A = tpu.concatenate %add3A_40, %add3A_51, %add3A_62, %add3A_73, %add3A_84, %add3A_95, %add3A_106, %add3A_117, %add3A_128, %broadcast_in_dim3A_129 in 1 : vector<64x1xf32>, vector<64x1xf32>, vector<64x1xf32>, vector<64x1xf32>, vector<64x1xf32>, vector<64x1xf32>, vector<64x1xf32>, vector<64x1xf32>, vector<64x1xf32>, vector<64x7xf32> -> vector<64x16xf32>
    %get3A_130 = arith.constant 0 : index
    %get3A_131 = arith.constant 0 : index
    %get3A_132 = vector.load %arg6[%get3A_130, %get3A_131] : memref<16x128xf32, #tpu.memory_space<vmem>>, vector<16x128xf32>
    %dot_general3A_133 = arith.constant dense<0.000000e+00> : vector<64x128xf32>
    %dot_general3A_134 = tpu.matmul %concatenate3A, %get3A_132, %dot_general3A_133 {dimension_numbers = #tpu.dot_dimension_numbers<[1], [0], [0], [1], [0, 0, 1, 1], [], []>, transpose_lhs_hint = false} : vector<64x16xf32>, vector<16x128xf32>, vector<64x128xf32> -> vector<64x128xf32>
    %swap3A_135 = arith.constant 0 : index
    %swap3A_136 = arith.constant 0 : index
    %swap3A_137 = vector.load %arg9[%swap3A_135, %swap3A_136] : memref<64x128xf32, #tpu.memory_space<vmem>>, vector<64x128xf32>
    tpu.vector_store %arg9[%swap3A_135, %swap3A_136], %dot_general3A_134 {strides = array<i32>} : memref<64x128xf32, #tpu.memory_space<vmem>>, vector<64x128xf32>,
    return
  }
  func.func @transform_0(%arg0: i32) -> (i32, i32) {
    %c0_i32 = arith.constant 0 : i32
    %c0_i32_0 = arith.constant 0 : i32
    return %arg0, %c0_i32 : i32, i32
  }
  func.func @transform_1(%arg0: i32) -> (i32, i32) {
    %c0_i32 = arith.constant 0 : i32
    %c0_i32_0 = arith.constant 0 : i32
    return %arg0, %c0_i32 : i32, i32
  }
  func.func @transform_2(%arg0: i32) -> (i32, i32) {
    %c0_i32 = arith.constant 0 : i32
    %c0_i32_0 = arith.constant 0 : i32
    %c0_i32_1 = arith.constant 0 : i32
    return %c0_i32, %c0_i32_0 : i32, i32
  }
  func.func @transform_3(%arg0: i32) -> (i32, i32) {
    %c0_i32 = arith.constant 0 : i32
    %c0_i32_0 = arith.constant 0 : i32
    %c0_i32_1 = arith.constant 0 : i32
    return %c0_i32, %c0_i32_0 : i32, i32
  }
  func.func @transform_4(%arg0: i32) -> (i32, i32) {
    %c0_i32 = arith.constant 0 : i32
    %c0_i32_0 = arith.constant 0 : i32
    %c0_i32_1 = arith.constant 0 : i32
    return %c0_i32, %c0_i32_0 : i32, i32
  }
  func.func @transform_5(%arg0: i32) -> (i32, i32) {
    %c0_i32 = arith.constant 0 : i32
    %c0_i32_0 = arith.constant 0 : i32
    %c0_i32_1 = arith.constant 0 : i32
    return %c0_i32, %c0_i32_0 : i32, i32
  }
  func.func @transform_6(%arg0: i32) -> (i32, i32) {
    %c0_i32 = arith.constant 0 : i32
    %c0_i32_0 = arith.constant 0 : i32
    return %arg0, %c0_i32 : i32, i32
  }
  func.func @transform_7(%arg0: i32) -> (i32, i32) {
    %c0_i32 = arith.constant 0 : i32
    %c0_i32_0 = arith.constant 0 : i32
    return %arg0, %c0_i32 : i32, i32
  }
  func.func @transform_8(%arg0: i32) -> (i32, i32) {
    %c0_i32 = arith.constant 0 : i32
    %c0_i32_0 = arith.constant 0 : i32
    %c0_i32_1 = arith.constant 0 : i32
    return %c0_i32, %c0_i32_0 : i32, i32
  }
}

module attributes {stable_mosaic.version = 14 : i64} {
  func.func @body(%arg0: i32, %arg1: memref<512x128xbf16, #tpu.memory_space<vmem>>, %arg2: memref<512x32xbf16, #tpu.memory_space<vmem>>, %arg3: memref<1x1x512xi32, #tpu.memory_space<vmem>>, %arg4: memref<64x128xf32, #tpu.memory_space<vmem>>, %arg5: memref<32x128xf32, #tpu.memory_space<vmem>>, %arg6: memref<128x128xf32, #tpu.memory_space<vmem>>, %arg7: memref<1x128xf32, #tpu.memory_space<vmem>>, %arg8: memref<1x128xf32, #tpu.memory_space<vmem>>, %arg9: memref<512x128xf32, #tpu.memory_space<vmem>>) attributes {dimension_semantics = [#tpu.dimension_semantics<arbitrary>], iteration_bounds = array<i64: 625>, scalar_prefetch = 0 : i64, scratch_operands = 0 : i64, tpu.core_type = #tpu.core_type<tc>, window_params = [{transform_indices = @transform_0, window_bounds = array<i64: 512, 128>}, {transform_indices = @transform_1, window_bounds = array<i64: 512, 32>}, {transform_indices = @transform_2, window_bounds = array<i64: 1, 1, 512>}, {pipeline_mode = #tpu.pipeline_mode<synchronous>, transform_indices = @transform_3, window_bounds = array<i64: 64, 128>}, {pipeline_mode = #tpu.pipeline_mode<synchronous>, transform_indices = @transform_4, window_bounds = array<i64: 32, 128>}, {pipeline_mode = #tpu.pipeline_mode<synchronous>, transform_indices = @transform_5, window_bounds = array<i64: 128, 128>}, {pipeline_mode = #tpu.pipeline_mode<synchronous>, transform_indices = @transform_6, window_bounds = array<i64: 1, 128>}, {pipeline_mode = #tpu.pipeline_mode<synchronous>, transform_indices = @transform_7, window_bounds = array<i64: 1, 128>}, {transform_indices = @transform_8, window_bounds = array<i64: 512, 128>}]} {
    %get3A = arith.constant 0 : index
    %get3A_0 = arith.constant 0 : index
    %get3A_1 = vector.load %arg1[%get3A, %get3A_0] : memref<512x128xbf16, #tpu.memory_space<vmem>>, vector<512x128xbf16>
    %convert_element_type3A = arith.extf %get3A_1 : vector<512x128xbf16> to vector<512x128xf32>
    %get3A_2 = arith.constant 0 : index
    %get3A_3 = arith.constant 0 : index
    %get3A_4 = vector.load %arg2[%get3A_2, %get3A_3] : memref<512x32xbf16, #tpu.memory_space<vmem>>, vector<512x32xbf16>
    %convert_element_type3A_5 = arith.extf %get3A_4 : vector<512x32xbf16> to vector<512x32xf32>
    %floor3A = math.floor %convert_element_type3A_5 : vector<512x32xf32>
    %sub3A = arith.subf %convert_element_type3A_5, %floor3A : vector<512x32xf32>
    %get3A_6 = arith.constant 0 : index
    %get3A_7 = arith.constant 0 : index
    %get3A_8 = arith.constant 0 : index
    %get3A_9 = vector.load %arg3[%get3A_6, %get3A_7, %get3A_8] : memref<1x1x512xi32, #tpu.memory_space<vmem>>, vector<1x1x512xi32>
    %get3A_10 = vector.shape_cast %get3A_9 : vector<1x1x512xi32> to vector<512xi32>
    %broadcast_in_dim3A = vector.shape_cast %get3A_10 : vector<512xi32> to vector<512x1xi32>
    %iota3A = tpu.iota {dimensions = array<i32: 1>} : vector<512x64xi32>
    %eq3A = vector.broadcast %broadcast_in_dim3A : vector<512x1xi32> to vector<512x64xi32>
    %eq3A_11 = arith.cmpi eq, %eq3A, %iota3A : vector<512x64xi32>
    %convert_element_type3A_12 = arith.extui %eq3A_11 : vector<512x64xi1> to vector<512x64xi32>
    %convert_element_type3A_13 = arith.sitofp %convert_element_type3A_12 : vector<512x64xi32> to vector<512x64xf32>
    %get3A_14 = arith.constant 0 : index
    %get3A_15 = arith.constant 0 : index
    %get3A_16 = vector.load %arg4[%get3A_14, %get3A_15] : memref<64x128xf32, #tpu.memory_space<vmem>>, vector<64x128xf32>
    %dot_general3A = arith.constant dense<0.000000e+00> : vector<512x128xf32>
    %dot_general3A_17 = tpu.matmul %convert_element_type3A_13, %get3A_16, %dot_general3A {dimension_numbers = #tpu.dot_dimension_numbers<[1], [0], [0], [1], [0, 0, 1, 1], [], []>, transpose_lhs_hint = false} : vector<512x64xf32>, vector<64x128xf32>, vector<512x128xf32> -> vector<512x128xf32>
    %add3A = arith.addf %convert_element_type3A, %dot_general3A_17 : vector<512x128xf32>
    %get3A_18 = arith.constant 0 : index
    %get3A_19 = arith.constant 0 : index
    %get3A_20 = vector.load %arg5[%get3A_18, %get3A_19] : memref<32x128xf32, #tpu.memory_space<vmem>>, vector<32x128xf32>
    %dot_general3A_21 = arith.constant dense<0.000000e+00> : vector<512x128xf32>
    %dot_general3A_22 = tpu.matmul %sub3A, %get3A_20, %dot_general3A_21 {dimension_numbers = #tpu.dot_dimension_numbers<[1], [0], [0], [1], [0, 0, 1, 1], [], []>, transpose_lhs_hint = false} : vector<512x32xf32>, vector<32x128xf32>, vector<512x128xf32> -> vector<512x128xf32>
    %add3A_23 = arith.addf %add3A, %dot_general3A_22 : vector<512x128xf32>
    %get3A_24 = arith.constant 0 : index
    %get3A_25 = arith.constant 0 : index
    %get3A_26 = vector.load %arg7[%get3A_24, %get3A_25] : memref<1x128xf32, #tpu.memory_space<vmem>>, vector<1x128xf32>
    %add3A_27 = vector.broadcast %get3A_26 : vector<1x128xf32> to vector<512x128xf32>
    %add3A_28 = arith.addf %add3A_23, %add3A_27 : vector<512x128xf32>
    %logistic3A = arith.negf %add3A_28 : vector<512x128xf32>
    %logistic3A_29 = math.exp %logistic3A : vector<512x128xf32>
    %logistic3A_30 = arith.constant 1.000000e+00 : f32
    %logistic3A_31 = vector.broadcast %logistic3A_30 : f32 to vector<512x128xf32>
    %logistic3A_32 = arith.addf %logistic3A_31, %logistic3A_29 : vector<512x128xf32>
    %logistic3A_33 = arith.divf %logistic3A_31, %logistic3A_32 : vector<512x128xf32>
    %mul3A = arith.mulf %add3A_28, %logistic3A_33 : vector<512x128xf32>
    %get3A_34 = arith.constant 0 : index
    %get3A_35 = arith.constant 0 : index
    %get3A_36 = vector.load %arg6[%get3A_34, %get3A_35] : memref<128x128xf32, #tpu.memory_space<vmem>>, vector<128x128xf32>
    %dot_general3A_37 = arith.constant dense<0.000000e+00> : vector<512x128xf32>
    %dot_general3A_38 = tpu.matmul %mul3A, %get3A_36, %dot_general3A_37 {dimension_numbers = #tpu.dot_dimension_numbers<[1], [0], [0], [1], [0, 0, 1, 1], [], []>, transpose_lhs_hint = false} : vector<512x128xf32>, vector<128x128xf32>, vector<512x128xf32> -> vector<512x128xf32>
    %get3A_39 = arith.constant 0 : index
    %get3A_40 = arith.constant 0 : index
    %get3A_41 = vector.load %arg8[%get3A_39, %get3A_40] : memref<1x128xf32, #tpu.memory_space<vmem>>, vector<1x128xf32>
    %add3A_42 = vector.broadcast %get3A_41 : vector<1x128xf32> to vector<512x128xf32>
    %add3A_43 = arith.addf %dot_general3A_38, %add3A_42 : vector<512x128xf32>
    %logistic3A_44 = arith.negf %add3A_43 : vector<512x128xf32>
    %logistic3A_45 = math.exp %logistic3A_44 : vector<512x128xf32>
    %logistic3A_46 = arith.constant 1.000000e+00 : f32
    %logistic3A_47 = vector.broadcast %logistic3A_46 : f32 to vector<512x128xf32>
    %logistic3A_48 = arith.addf %logistic3A_47, %logistic3A_45 : vector<512x128xf32>
    %logistic3A_49 = arith.divf %logistic3A_47, %logistic3A_48 : vector<512x128xf32>
    %mul3A_50 = arith.mulf %add3A_43, %logistic3A_49 : vector<512x128xf32>
    %swap3A = arith.constant 0 : index
    %swap3A_51 = arith.constant 0 : index
    %swap3A_52 = vector.load %arg9[%swap3A, %swap3A_51] : memref<512x128xf32, #tpu.memory_space<vmem>>, vector<512x128xf32>
    tpu.vector_store %arg9[%swap3A, %swap3A_51], %mul3A_50 {strides = array<i32>} : memref<512x128xf32, #tpu.memory_space<vmem>>, vector<512x128xf32>,
    return
  }
  func.func @transform_0(%arg0: i32) -> (i32, i32) {
    %c0_i32 = arith.constant 0 : i32
    %c0_i32_0 = arith.constant 0 : i32
    return %arg0, %c0_i32 : i32, i32
  }
  func.func @transform_1(%arg0: i32) -> (i32, i32) {
    %c0_i32 = arith.constant 0 : i32
    %c0_i32_0 = arith.constant 0 : i32
    return %arg0, %c0_i32 : i32, i32
  }
  func.func @transform_2(%arg0: i32) -> (i32, i32, i32) {
    %c0_i32 = arith.constant 0 : i32
    %c0_i32_0 = arith.constant 0 : i32
    %c0_i32_1 = arith.constant 0 : i32
    return %arg0, %c0_i32, %c0_i32_0 : i32, i32, i32
  }
  func.func @transform_3(%arg0: i32) -> (i32, i32) {
    %c0_i32 = arith.constant 0 : i32
    %c0_i32_0 = arith.constant 0 : i32
    %c0_i32_1 = arith.constant 0 : i32
    return %c0_i32, %c0_i32_0 : i32, i32
  }
  func.func @transform_4(%arg0: i32) -> (i32, i32) {
    %c0_i32 = arith.constant 0 : i32
    %c0_i32_0 = arith.constant 0 : i32
    %c0_i32_1 = arith.constant 0 : i32
    return %c0_i32, %c0_i32_0 : i32, i32
  }
  func.func @transform_5(%arg0: i32) -> (i32, i32) {
    %c0_i32 = arith.constant 0 : i32
    %c0_i32_0 = arith.constant 0 : i32
    %c0_i32_1 = arith.constant 0 : i32
    return %c0_i32, %c0_i32_0 : i32, i32
  }
  func.func @transform_6(%arg0: i32) -> (i32, i32) {
    %c0_i32 = arith.constant 0 : i32
    %c0_i32_0 = arith.constant 0 : i32
    %c0_i32_1 = arith.constant 0 : i32
    return %c0_i32, %c0_i32_0 : i32, i32
  }
  func.func @transform_7(%arg0: i32) -> (i32, i32) {
    %c0_i32 = arith.constant 0 : i32
    %c0_i32_0 = arith.constant 0 : i32
    %c0_i32_1 = arith.constant 0 : i32
    return %c0_i32, %c0_i32_0 : i32, i32
  }
  func.func @transform_8(%arg0: i32) -> (i32, i32) {
    %c0_i32 = arith.constant 0 : i32
    %c0_i32_0 = arith.constant 0 : i32
    return %arg0, %c0_i32 : i32, i32
  }
}

module attributes {stable_mosaic.version = 14 : i64} {
  func.func @body(%arg0: i32, %arg1: memref<512x128xf32, #tpu.memory_space<vmem>>, %arg2: memref<512x128xf32, #tpu.memory_space<vmem>>, %arg3: memref<512x128xf32, #tpu.memory_space<vmem>>, %arg4: memref<512x16xf32, #tpu.memory_space<vmem>>, %arg5: memref<512x16xf32, #tpu.memory_space<vmem>>, %arg6: memref<128x128xf32, #tpu.memory_space<vmem>>, %arg7: memref<128x128xf32, #tpu.memory_space<vmem>>, %arg8: memref<128x128xf32, #tpu.memory_space<vmem>>, %arg9: memref<1x128xf32, #tpu.memory_space<vmem>>, %arg10: memref<1x128xf32, #tpu.memory_space<vmem>>, %arg11: memref<512x128xf32, #tpu.memory_space<vmem>>) attributes {dimension_semantics = [#tpu.dimension_semantics<arbitrary>], iteration_bounds = array<i64: 20>, scalar_prefetch = 0 : i64, scratch_operands = 0 : i64, tpu.core_type = #tpu.core_type<tc>, window_params = [{transform_indices = @transform_0, window_bounds = array<i64: 512, 128>}, {transform_indices = @transform_1, window_bounds = array<i64: 512, 128>}, {transform_indices = @transform_2, window_bounds = array<i64: 512, 128>}, {transform_indices = @transform_3, window_bounds = array<i64: 512, 16>}, {transform_indices = @transform_4, window_bounds = array<i64: 512, 16>}, {pipeline_mode = #tpu.pipeline_mode<synchronous>, transform_indices = @transform_5, window_bounds = array<i64: 128, 128>}, {pipeline_mode = #tpu.pipeline_mode<synchronous>, transform_indices = @transform_6, window_bounds = array<i64: 128, 128>}, {pipeline_mode = #tpu.pipeline_mode<synchronous>, transform_indices = @transform_7, window_bounds = array<i64: 128, 128>}, {pipeline_mode = #tpu.pipeline_mode<synchronous>, transform_indices = @transform_8, window_bounds = array<i64: 1, 128>}, {pipeline_mode = #tpu.pipeline_mode<synchronous>, transform_indices = @transform_9, window_bounds = array<i64: 1, 128>}, {transform_indices = @transform_10, window_bounds = array<i64: 512, 128>}]} {
    %get3A = arith.constant 0 : index
    %get3A_0 = arith.constant 0 : index
    %get3A_1 = vector.load %arg1[%get3A, %get3A_0] : memref<512x128xf32, #tpu.memory_space<vmem>>, vector<512x128xf32>
    %get3A_2 = arith.constant 0 : index
    %get3A_3 = arith.constant 0 : index
    %get3A_4 = vector.load %arg4[%get3A_2, %get3A_3] : memref<512x16xf32, #tpu.memory_space<vmem>>, vector<512x16xf32>
    %slice3A = vector.extract_strided_slice %get3A_4 {offsets = [0, 0], sizes = [512, 1], strides = [1, 1]} : vector<512x16xf32> to vector<512x1xf32>
    %get3A_5 = arith.constant 0 : index
    %get3A_6 = arith.constant 0 : index
    %get3A_7 = vector.load %arg5[%get3A_5, %get3A_6] : memref<512x16xf32, #tpu.memory_space<vmem>>, vector<512x16xf32>
    %slice3A_8 = vector.extract_strided_slice %get3A_7 {offsets = [0, 0], sizes = [512, 1], strides = [1, 1]} : vector<512x16xf32> to vector<512x1xf32>
    %add3A = arith.addf %slice3A, %slice3A_8 : vector<512x1xf32>
    %get3A_9 = arith.constant 0 : index
    %get3A_10 = arith.constant 0 : index
    %get3A_11 = vector.load %arg2[%get3A_9, %get3A_10] : memref<512x128xf32, #tpu.memory_space<vmem>>, vector<512x128xf32>
    %get3A_12 = arith.constant 0 : index
    %get3A_13 = arith.constant 0 : index
    %get3A_14 = vector.load %arg3[%get3A_12, %get3A_13] : memref<512x128xf32, #tpu.memory_space<vmem>>, vector<512x128xf32>
    %add3A_15 = arith.addf %get3A_11, %get3A_14 : vector<512x128xf32>
    %max3A = arith.constant 1.000000e+00 : f32
    %max3A_16 = vector.broadcast %max3A : f32 to vector<512x1xf32>
    %max3A_17 = arith.maximumf %add3A, %max3A_16 : vector<512x1xf32>
    %div3A = vector.broadcast %max3A_17 : vector<512x1xf32> to vector<512x128xf32>
    %div3A_18 = arith.divf %add3A_15, %div3A : vector<512x128xf32>
    %get3A_19 = arith.constant 0 : index
    %get3A_20 = arith.constant 0 : index
    %get3A_21 = vector.load %arg6[%get3A_19, %get3A_20] : memref<128x128xf32, #tpu.memory_space<vmem>>, vector<128x128xf32>
    %dot_general3A = arith.constant dense<0.000000e+00> : vector<512x128xf32>
    %dot_general3A_22 = tpu.matmul %get3A_1, %get3A_21, %dot_general3A {dimension_numbers = #tpu.dot_dimension_numbers<[1], [0], [0], [1], [0, 0, 1, 1], [], []>, transpose_lhs_hint = false} : vector<512x128xf32>, vector<128x128xf32>, vector<512x128xf32> -> vector<512x128xf32>
    %get3A_23 = arith.constant 0 : index
    %get3A_24 = arith.constant 0 : index
    %get3A_25 = vector.load %arg7[%get3A_23, %get3A_24] : memref<128x128xf32, #tpu.memory_space<vmem>>, vector<128x128xf32>
    %dot_general3A_26 = arith.constant dense<0.000000e+00> : vector<512x128xf32>
    %dot_general3A_27 = tpu.matmul %div3A_18, %get3A_25, %dot_general3A_26 {dimension_numbers = #tpu.dot_dimension_numbers<[1], [0], [0], [1], [0, 0, 1, 1], [], []>, transpose_lhs_hint = false} : vector<512x128xf32>, vector<128x128xf32>, vector<512x128xf32> -> vector<512x128xf32>
    %add3A_28 = arith.addf %dot_general3A_22, %dot_general3A_27 : vector<512x128xf32>
    %get3A_29 = arith.constant 0 : index
    %get3A_30 = arith.constant 0 : index
    %get3A_31 = vector.load %arg9[%get3A_29, %get3A_30] : memref<1x128xf32, #tpu.memory_space<vmem>>, vector<1x128xf32>
    %add3A_32 = vector.broadcast %get3A_31 : vector<1x128xf32> to vector<512x128xf32>
    %add3A_33 = arith.addf %add3A_28, %add3A_32 : vector<512x128xf32>
    %logistic3A = arith.negf %add3A_33 : vector<512x128xf32>
    %logistic3A_34 = math.exp %logistic3A : vector<512x128xf32>
    %logistic3A_35 = arith.constant 1.000000e+00 : f32
    %logistic3A_36 = vector.broadcast %logistic3A_35 : f32 to vector<512x128xf32>
    %logistic3A_37 = arith.addf %logistic3A_36, %logistic3A_34 : vector<512x128xf32>
    %logistic3A_38 = arith.divf %logistic3A_36, %logistic3A_37 : vector<512x128xf32>
    %mul3A = arith.mulf %add3A_33, %logistic3A_38 : vector<512x128xf32>
    %get3A_39 = arith.constant 0 : index
    %get3A_40 = arith.constant 0 : index
    %get3A_41 = vector.load %arg8[%get3A_39, %get3A_40] : memref<128x128xf32, #tpu.memory_space<vmem>>, vector<128x128xf32>
    %dot_general3A_42 = arith.constant dense<0.000000e+00> : vector<512x128xf32>
    %dot_general3A_43 = tpu.matmul %mul3A, %get3A_41, %dot_general3A_42 {dimension_numbers = #tpu.dot_dimension_numbers<[1], [0], [0], [1], [0, 0, 1, 1], [], []>, transpose_lhs_hint = false} : vector<512x128xf32>, vector<128x128xf32>, vector<512x128xf32> -> vector<512x128xf32>
    %get3A_44 = arith.constant 0 : index
    %get3A_45 = arith.constant 0 : index
    %get3A_46 = vector.load %arg10[%get3A_44, %get3A_45] : memref<1x128xf32, #tpu.memory_space<vmem>>, vector<1x128xf32>
    %add3A_47 = vector.broadcast %get3A_46 : vector<1x128xf32> to vector<512x128xf32>
    %add3A_48 = arith.addf %dot_general3A_43, %add3A_47 : vector<512x128xf32>
    %logistic3A_49 = arith.negf %add3A_48 : vector<512x128xf32>
    %logistic3A_50 = math.exp %logistic3A_49 : vector<512x128xf32>
    %logistic3A_51 = arith.constant 1.000000e+00 : f32
    %logistic3A_52 = vector.broadcast %logistic3A_51 : f32 to vector<512x128xf32>
    %logistic3A_53 = arith.addf %logistic3A_52, %logistic3A_50 : vector<512x128xf32>
    %logistic3A_54 = arith.divf %logistic3A_52, %logistic3A_53 : vector<512x128xf32>
    %mul3A_55 = arith.mulf %add3A_48, %logistic3A_54 : vector<512x128xf32>
    %add3A_56 = arith.addf %get3A_1, %mul3A_55 : vector<512x128xf32>
    %swap3A = arith.constant 0 : index
    %swap3A_57 = arith.constant 0 : index
    %swap3A_58 = vector.load %arg11[%swap3A, %swap3A_57] : memref<512x128xf32, #tpu.memory_space<vmem>>, vector<512x128xf32>
    tpu.vector_store %arg11[%swap3A, %swap3A_57], %add3A_56 {strides = array<i32>} : memref<512x128xf32, #tpu.memory_space<vmem>>, vector<512x128xf32>,
    return
  }
  func.func @transform_0(%arg0: i32) -> (i32, i32) {
    %c0_i32 = arith.constant 0 : i32
    %c0_i32_0 = arith.constant 0 : i32
    return %arg0, %c0_i32 : i32, i32
  }
  func.func @transform_1(%arg0: i32) -> (i32, i32) {
    %c0_i32 = arith.constant 0 : i32
    %c0_i32_0 = arith.constant 0 : i32
    return %arg0, %c0_i32 : i32, i32
  }
  func.func @transform_2(%arg0: i32) -> (i32, i32) {
    %c0_i32 = arith.constant 0 : i32
    %c0_i32_0 = arith.constant 0 : i32
    return %arg0, %c0_i32 : i32, i32
  }
  func.func @transform_3(%arg0: i32) -> (i32, i32) {
    %c0_i32 = arith.constant 0 : i32
    %c0_i32_0 = arith.constant 0 : i32
    return %arg0, %c0_i32 : i32, i32
  }
  func.func @transform_4(%arg0: i32) -> (i32, i32) {
    %c0_i32 = arith.constant 0 : i32
    %c0_i32_0 = arith.constant 0 : i32
    return %arg0, %c0_i32 : i32, i32
  }
  func.func @transform_5(%arg0: i32) -> (i32, i32) {
    %c0_i32 = arith.constant 0 : i32
    %c0_i32_0 = arith.constant 0 : i32
    %c0_i32_1 = arith.constant 0 : i32
    return %c0_i32, %c0_i32_0 : i32, i32
  }
  func.func @transform_6(%arg0: i32) -> (i32, i32) {
    %c0_i32 = arith.constant 0 : i32
    %c0_i32_0 = arith.constant 0 : i32
    %c0_i32_1 = arith.constant 0 : i32
    return %c0_i32, %c0_i32_0 : i32, i32
  }
  func.func @transform_7(%arg0: i32) -> (i32, i32) {
    %c0_i32 = arith.constant 0 : i32
    %c0_i32_0 = arith.constant 0 : i32
    %c0_i32_1 = arith.constant 0 : i32
    return %c0_i32, %c0_i32_0 : i32, i32
  }
  func.func @transform_8(%arg0: i32) -> (i32, i32) {
    %c0_i32 = arith.constant 0 : i32
    %c0_i32_0 = arith.constant 0 : i32
    %c0_i32_1 = arith.constant 0 : i32
    return %c0_i32, %c0_i32_0 : i32, i32
  }
  func.func @transform_9(%arg0: i32) -> (i32, i32) {
    %c0_i32 = arith.constant 0 : i32
    %c0_i32_0 = arith.constant 0 : i32
    %c0_i32_1 = arith.constant 0 : i32
    return %c0_i32, %c0_i32_0 : i32, i32
  }
  func.func @transform_10(%arg0: i32) -> (i32, i32) {
    %c0_i32 = arith.constant 0 : i32
    %c0_i32_0 = arith.constant 0 : i32
    return %arg0, %c0_i32 : i32, i32
  }
}

</mosaic_0001>

<sc_bundles>
// kernel: kernel.10.cloned.1.call-start
scs
__scs_entry_jumppad:
0x0: {  	(pc) =	sbr.rel $0x88, $3  }
0x1: {  	(tag) =	ssettag $0x0;
	lr =	simm.s32 $0x1  }
0x2: {  	[smem:$0x3F94] =	sst lr;
	_ =	strace $0xD0000000  }
0x3: {  	_ = 	snop  }
0x4: {  	_ = 	snop  }
0x5: {  	_ = 	snop  }
0x6: {  	_ = 	snop  }
0x7: {  	_ = 	snop  }
__scs_overlays_trampoline_lowered:
0x8: {  	[smem:$0x3FA3] =	sst s0  }
0x9: {  	[smem:$0x3FA4] =	sst s1  }
0xa: {  	[smem:$0x3FA5] =	sst s2  }
0xb: {  	[smem:$0x3FA6] =	sst s3  }
0xc: {  	[smem:$0x3FA7] =	sst s4  }
0xd: {  	[smem:$0x3FA8] =	sst s5  }
0xe: {  	[smem:$0x3FA9] =	sst s6  }
0xf: {  	[smem:$0x3FAA] =	sst s7  }
0x10: {  	[smem:$0x3FAB] =	sst s8  }
0x11: {  	[smem:$0x3FAC] =	sst s9;
	s0 =	simm.s32 @!p0 $0x0  }
0x12: {  	s1 =	sld [smem:$0x3F92];
	s0 =	simm.s32 @p0 $0x1  }
0x13: {  	[smem:$0x3FAD] =	sst s0;
	s0 =	simm.s32 @!p1 $0x0  }
0x14: {  	s2 =	sld [smem:$0x3F91];
	s0 =	simm.s32 @p1 $0x1  }
0x15: {  	[smem:$0x3FAE] =	sst s0;
	s0 =	simm.s32 @!p2 $0x0  }
0x16: {  	s3 =	sld [smem:$0x3FDB];
	s0 =	simm.s32 @p2 $0x1  }
0x17: {  	s4 =	simm.s32 $0x1BF5;
	[smem:$0x3FB0] =	sst s0  }
0x18: {  	s0 =	sld [smem:$0x3F93];
	_ =	swait.ge [sflag:s4], $0x0  }
0x19: {  	s7 =	sld [smem:$0x3F94]  }
0x1a: {  	s8 =	sadd.s32 $0xFFFFE003, lr  }
0x1b: {  	s9 =	sadd.s32 $0xFFFFFEF7, lr;
	s5 =	simm.s32 $0xFFFFFFFF;
	p2 =	slt.u32 s8, $0xFFFFF086  }
0x1c: {  	p1 =	slt.u32 s9, $0xF7A;
	s5 =	simm.s32 @!p2 $0x0  }
0x1d: {  	s5 =	simm.s32 @p1 $0x1;
	p0 =	seq.s32 s7, s2  }
0x1e: {  	s7 =	smul.u32 @!p0 $0xF7A, s2;
	p2 =	seq.s32 @!p0 s5, $0x0  }
0x1f: {  	s9 =	smul.u32 $0xF7A, s1;
	s8 =	simm.s32 @!p0 $0x1BF5;
	p2 =	por !p2, p0  }
0x20: {  	[sflag:s8] =	ssyncset.s32 @!p0 $0xFFFFF086;
	s6 =	sadd.s32 @!p0 s3, s7;
	s7 =	simm.s32 @!p0 $0x108  }
0x21: {  	s3 =	sadd.s32 s3, s9;
	s6 =	sadd.s32 @!p0 $0x88, s6;
	s7 =	simm.s32 @p2 $0x1082  }
0x22: {  	[simem:s7], [sflag:s8] =	dma.local @!p0 [hbm:s6], $0xF7A  }
0x23: {  	s9 =	sor.u32 $0xD0000000, s2;
	s6 =	simm.s32 $0x108;
	_ =	swait.ge @!p0 [sflag:s8], $0x0  }
0x24: {  	s3 =	sadd.s32 $0x88, s3;
	s6 =	simm.s32 @!p1 $0x1082;
	[sflag:s4] =	ssyncset.s32 $0xFFFFF086  }
0x25: {  	[simem:s6], [sflag:s4] =	dma.local [hbm:s3], $0xF7A  }
0x26: {  	[smem:$0x3F94] =	sst s1;
	(tag) =	ssettag s2;
	_ =	strace s9  }
0x27: {  	s1 =	sld [smem:$0x3FA4]  }
0x28: {  	s2 =	sld [smem:$0x3FA5]  }
0x29: {  	s4 =	sld [smem:$0x3FA7]  }
0x2a: {  	p0 =	seq.s32 s5, $0x0;
	s5 =	sld [smem:$0x3FA8]  }
0x2b: {  	s6 =	sld [smem:$0x3FA9]  }
0x2c: {  	s7 =	sld [smem:$0x3FAA]  }
0x2d: {  	s3 =	simm.s32 $0x108;
	s8 =	sld [smem:$0x3FAB]  }
0x2e: {  	s3 =	simm.s32 @!p0 $0x1082;
	s9 =	sld [smem:$0x3FAC]  }
0x2f: {  	lr =	sadd.s32 s0, s3;
	s0 =	sld [smem:$0x3FA3]  }
0x30: {  	s3 =	sld [smem:$0x3FA6]  }
0x31: {  	[smem:$0x3FAF] =	sst s10  }
0x32: {  	s10 =	sld [smem:$0x3FAD];
	_ =	sdelay $0x3  }
0x33: {  	p0 =	seq.s32 s10, $0x1;
	s10 =	sld [smem:$0x3FAF];
	_ =	sdelay $0x3  }
0x34: {  	[smem:$0x3FAF] =	sst s10  }
0x35: {  	s10 =	sld [smem:$0x3FAE];
	_ =	sdelay $0x3  }
0x36: {  	p1 =	seq.s32 s10, $0x1;
	s10 =	sld [smem:$0x3FAF];
	_ =	sdelay $0x3  }
0x37: {  	[smem:$0x3FAF] =	sst s10  }
0x38: {  	s10 =	sld [smem:$0x3FB0]  }
0x39: {  	_ = 	snop;
	(pc) =	sbr.ind lr, $3  }
0x3a: {  	_ = 	snop  }
0x3b: {  	_ = 	snop  }
0x3c: {  	p2 =	seq.s32 s10, $0x1;
	s10 =	sld [smem:$0x3FAF]  }
0x3d: {  	_ =	shalt  }
0x3e: {  	_ =	shalt  }
0x3f: {  	_ =	shalt  }
0x40: {  	_ =	shalt  }
0x41: {  	_ =	shalt  }
0x42: {  	_ =	shalt  }
0x43: {  	_ =	shalt  }
0x44: {  	_ =	shalt  }
0x45: {  	_ =	shalt  }
0x46: {  	_ =	shalt  }
0x47: {  	_ =	shalt  }
0x48: {  	_ =	shalt  }
0x49: {  	_ =	shalt  }
0x4a: {  	_ =	shalt  }
0x4b: {  	_ =	shalt  }
0x4c: {  	_ =	shalt  }
0x4d: {  	_ =	shalt  }
0x4e: {  	_ =	shalt  }
0x4f: {  	_ =	shalt  }
0x50: {  	_ =	shalt  }
0x51: {  	_ =	shalt  }
0x52: {  	_ =	shalt  }
0x53: {  	_ =	shalt  }
0x54: {  	_ =	shalt  }
0x55: {  	_ =	shalt  }
0x56: {  	_ =	shalt  }
0x57: {  	_ =	shalt  }
0x58: {  	_ =	shalt  }
0x59: {  	_ =	shalt  }
0x5a: {  	_ =	shalt  }
0x5b: {  	_ =	shalt  }
0x5c: {  	_ =	shalt  }
0x5d: {  	_ =	shalt  }
0x5e: {  	_ =	shalt  }
0x5f: {  	_ =	shalt  }
0x60: {  	_ =	shalt  }
0x61: {  	_ =	shalt  }
0x62: {  	_ =	shalt  }
0x63: {  	_ =	shalt  }
0x64: {  	_ =	shalt  }
0x65: {  	_ =	shalt  }
0x66: {  	_ =	shalt  }
0x67: {  	_ =	shalt  }
0x68: {  	_ =	shalt  }
0x69: {  	_ =	shalt  }
0x6a: {  	_ =	shalt  }
0x6b: {  	_ =	shalt  }
0x6c: {  	_ =	shalt  }
0x6d: {  	_ =	shalt  }
0x6e: {  	_ =	shalt  }
0x6f: {  	_ =	shalt  }
0x70: {  	_ =	shalt  }
0x71: {  	_ =	shalt  }
0x72: {  	_ =	shalt  }
0x73: {  	_ =	shalt  }
0x74: {  	_ =	shalt  }
0x75: {  	_ =	shalt  }
0x76: {  	_ =	shalt  }
0x77: {  	_ =	shalt  }
0x78: {  	_ =	shalt  }
0x79: {  	_ =	shalt  }
0x7a: {  	_ =	shalt  }
0x7b: {  	_ =	shalt  }
0x7c: {  	_ =	shalt  }
0x7d: {  	_ =	shalt  }
0x7e: {  	_ =	shalt  }
0x7f: {  	_ =	shalt  }
0x80: {  	_ =	shalt  }
0x81: {  	_ =	shalt  }
0x82: {  	_ =	shalt  }
0x83: {  	_ =	shalt  }
0x84: {  	_ =	shalt  }
0x85: {  	_ =	shalt  }
0x86: {  	_ =	shalt  }
0x87: {  	_ =	shalt  }
.Lfunc_end0:
.L_simem_size_0:
called_computation.1_lowered:
.L_overlay_start_0:
0x88: {  	s2 =	sld [smem:$0x3FD9]  }
0x89: {  	s3 =	sld [smem:$0x3FFE];
	_ =	sdelay $0x1  }
0x8a: {  	s1 =	srdreg.scid  }
0x8b: {  	s0 =	sand.u32 $0x1, s1  }
0x8c: {  	s17 =	sshll.u32 s0, $0xA;
	s2 =	sadd.s32 s3, s2  }
0x8d: {  	s2 =	sadd.s32 s2, s17  }
0x8e: {  	[smem:$0x3FBB] =	sst s2  }
0x8f: {  	_ = 	snop  }
0x90: {  	s2 =	sld [smem:$0x3FD0];
	(tm) =	ssettm $0x1  }
0x91: {  	s18 =	sld [smem:$0x3FFB];
	_ =	sdelay $0x3  }
0x92: {  	_ =	strace s18  }
0x93: {  	s3 =	sld [smem:$0x3FFC];
	_ =	sdelay $0x3  }
0x94: {  	_ =	strace s3  }
0x95: {  	s3 =	sld [smem:$0x3FFD];
	_ =	sdelay $0x3  }
0x96: {  	_ =	strace s3  }
0x97: {  	_ =	strace $0x8FFFFFFF  }
0x98: {  	s19 =	sld [smem:$0x3FDB];
	_ =	sdelay $0x1  }
0x99: {  	s4 =	simm.s32 $_scs_section_size  }
0x9a: {  	s5 =	simm.s32 $_size__tile_overlayer_lowered;
	s6 =	simm.s32 $_tile_overlayer_lowered  }
0x9b: {  	s22 =	simm.s32 $0x1BFF;
	s21 =	sshll.u32 s6, $0x1;
	s3 =	sadd.s32 s4, s19  }
0x9c: {  	s7 =	simm.s32 $0x0;
	s20 =	sshll.u32 s5, $0x1;
	s5 =	sadd.s32 s21, s3  }
0x9d: {  	[timem:s7], [sflag:s22] =	dma.local [hbm:s5], s20  }
0x9e: {  	_ =	swait.ge [sflag:s22], s20  }
0x9f: {  	s4 =	ssub.s32 $0x0, s20;
	[sflag:s22] =	ssyncset.done $0x0  }
0xa0: {  	[sflag:s22] =	ssyncadd.s32 s4;
	_ =	sdelay $0x1  }
0xa1: {  	s23 =	simm.s32 $0x1B8B  }
0xa2: {  	_ =	swait.ge [sflag:s23], $0x1  }
0xa3: {  	[sflag:s23] =	ssyncset.done $0x0  }
0xa4: {  	s25 =	simm.s32 $0x1B8E;
	s24 =	sld [smem:$0x3FFE];
	[sflag:s23] =	ssyncadd.s32 $0xFFFFFFFF  }
0xa5: {  	s26 =	simm.s32 $execute0_lowered;
	[smem:$0x3FD2] =	sst s25  }
0xa6: {  	s5 =	sshll.u32 s26, $0x1;
	_ =	strace $0x80000049;
	[dreg:$0x1] =	wrdreg $0xFFFFFFFF  }
0xa7: {  	s28 =	simm.s32 $_size_execute0_lowered;
	s3 =	sadd.s32 s3, s5;
	[dreg:$0x0] =	wrdreg $0x0  }
0xa8: {  	s5 =	sshll.u32 s28, $0x1;
	[dreg:$0x2] =	wrdreg s3  }
0xa9: {  	[dreg:$0x3] =	wrdreg s5  }
0xaa: {  	[dreg:$0x4] =	wrdreg $0xC0  }
0xab: {  	_ =	task [dreg:s7], $0x5FFFF  }
0xac: {  	[dreg:$0x1] =	wrdreg $0xFFFFFFFF  }
0xad: {  	[dreg:$0x0] =	wrdreg $0x60  }
0xae: {  	[dreg:$0x2] =	wrdreg s24  }
0xaf: {  	[dreg:$0x3] =	wrdreg s2  }
0xb0: {  	[dreg:$0x4] =	wrdreg $0x51900  }
0xb1: {  	[dreg:$0x5] =	wrdreg $0x191900  }
0xb2: {  	[dreg:$0x6] =	wrdreg $0x9  }
0xb3: {  	_ =	task.clear_ibuf [dreg:s7], $0x7FFFF;
	_ =	strace $0x90000049  }
0xb4: {  	s29 =	simm.s32 $0x9;
	_ =	strace $0x8000004B  }
0xb5: {  	_ =	swait.ge [sflag:s29], $0x1  }
0xb6: {  	[sflag:s29] =	ssyncadd.s32 $0xFFFFFFFF  }
0xb7: {  	_ =	strace $0x9000004B  }
0xb8: {  	_ =	sfence  }
0xb9: {  	s30 =	sld [smem:$0x0];
	_ =	sdelay $0x2  }
0xba: {  	s31 =	sshll.u32 s1, $0xD;
	s1 =	sshrl.u32 s1, $0x2  }
0xbb: {  	s3 =	sand.u32 $0x4000, s31;
	s1 =	sadd.s32 s1, s30  }
0xbc: {  	s0 =	sor.u32 s3, s0;
	s1 =	sshll.u32 s1, $0x11  }
0xbd: {  	s0 =	sor.u32 s1, s0  }
0xbe: {  	s0 =	sadd.s32 $0x8F2B, s0  }
0xbf: {  	[sflag:s0] =	ssyncadd.remote.s32 $0x1  }
0xc0: {  	_ =	sfence.sel $0xFFFF  }
0xc1: {  	[dreg:$0x0] =	wrdreg $0xFFFFFFFF;
	(pc) =	sbr.abs _section_cstart, $3  }
0xc2: {  	[dreg:$0x1] =	wrdreg $0xFFFFFFFF  }
0xc3: {  	_ =	task.clear_ibuf [dreg:s7], $0x2FFFF;
	_ =	strace $0x9FFFFFFF  }
0xc4: {  	(tm) =	ssettm $0x7FFFFFFF  }
0xc5: {  	_ =	shalt  }
tec
execute0_lowered:
.L_overlay_start_1:
0x0: {  	(tag) =	ssettag $0x1  }
0x1: {  	s0 =	rddreg [dreg:$0x0]  }
0x2: {  	s5 =	rddreg [dreg:$0x1]  }
0x3: {  	s1 =	srdreg.scid;
	s2 =	rddreg [dreg:$0x2]  }
0x4: {  	s16 =	stileid.u32;
	s3 =	rddreg [dreg:$0x3]  }
0x5: {  	s17 =	simm.s32 $0x7;
	s18 =	simm.s32 $0x2710;
	s9 =	smul.u32 $0x14000, s16  }
0x6: {  	s19 =	simm.s32 $0x4F10;
	s20 =	simm.s32 $0x3B10;
	s15 =	smul.u32 $0x2800, s16  }
0x7: {  	s28 =	simm.s32 $0x2;
	s29 =	simm.s32 $0x4;
	s21 =	smul.u32 $0x2710, s16  }
0x8: {  	s30 =	simm.s32 $0x6;
	s31 =	simm.s32 $0x26E8;
	s22 =	smul.u32 $0xA000, s16  }
0x9: {  	s1 =	sand.u32 $0x1, s1;
	s14 =	sadd.s32 $0x5E1800, s0;
	s23 =	smul.u32 $0x50000, s16  }
0xa: {  	s4 =	sshll.u32 s1, $0x4;
	s8 =	smul.u32 $0x140000, s1;
	s11 =	ssub.s32 $0x2, s1  }
0xb: {  	s12 =	smul.u32 $0x28000, s1;
	s6 =	sor.u32 s16, s4;
	s4 =	simm.s32 $0x0  }
0xc: {  	s13 =	sshrl.u32 s11, $0x1;
	s7 =	smul.u32 $0x2710, s6;
	[smem:$0x7FF] =	sst s4  }
0xd: {  	s6 =	smul.u32 $0x27100, s6;
	s8 =	sadd.s32 s9, s8;
	s11 =	ssub.s32 s11, s13  }
0xe: {  	s25 =	sadd.s32 s15, s12;
	_ =	strace $0x8000004A;
	s8 =	sshrl.u32 s8, $0x3  }
0xf: {  	s26 =	sshrl.u32 s25, $0x3;
	s25 =	sshrl.u32 s22, $0x2;
	s22 =	simm.s32 $0x28  }
0x10: {  	s10 =	sshrl.u32 s7, $0x3;
	s6 =	sadd.s32 s14, s6;
	s7 =	sshll.u32 s7, $0x4  }
0x11: {  	s13 =	sadd.s32 s25, s3;
	s10 =	sadd.s32 s10, s0;
	s0 =	sadd.s32 s8, s0  }
0x12: {  	s8 =	sadd.s32 s15, s3;
	s7 =	sadd.s32 s14, s7;
	s24 =	sadd.s32 $0x4F600, s10  }
0x13: {  	s12 =	sadd.s32 $0x26E80, s6;
	s0 =	sadd.s32 $0x59400, s0;
	[dreg:$0x5] =	wrdreg s24  }
0x14: {  	s10 =	sadd.s32 $0x280, s6;
	s25 =	sshrl.u32 s8, $0x3;
	[dreg:$0x6] =	wrdreg s0  }
0x15: {  	s24 =	sadd.s32 s9, s2;
	s0 =	sadd.s32 s5, s26;
	s5 =	smul.u32 $0x27100, s1  }
0x16: {  	s9 =	smax.u32 s11, $0x1;
	s11 =	sadd.s32 $0x500, s7;
	s26 =	sshrl.u32 s23, $0x2  }
0x17: {  	s23 =	simm.s32 $0x3;
	[dreg:$0x7] =	wrdreg s0;
	s0 =	sadd.s32 s21, s5  }
0x18: {  	s1 =	simm.s32 $0x0;
	s24 =	sshrl.u32 s24, $0x3;
	s0 =	sshll.u32 s0, $0x4  }
0x19: {  	s21 =	simm.s32 $0x1;
	s0 =	sadd.s32 s14, s0;
	s14 =	sadd.s32 s26, s2  }
0x1a: {  	v0 =	vimm.f32 $0.0e+00;
	v1 =	vimm.f32 $1.000000000e+00;
	s26 =	simm.s32 $0x5;
	s15 =	sadd.s32 $0xA00, s0;
	s16 =	sadd.s32 $0x780, s0  }
.LBB2_1:
0x1b: {  	s0 =	rddreg [dreg:$0x5]  }
0x1c: {  	[tilespmem:s4], [sflag:$0x7] =	stream.linear.gather [hbm4b:s0+s4], $0x2710, $0x38;
	[tilespmem:$0x1B990] =	vst v63  }
0x1d: {  	_ =	swait.ge [sflag:s17], $0x2710  }
0x1e: {  	[sflag:s17] =	ssyncset.done $0x0  }
0x1f: {  	s0 =	simm.s32 $0x2750;
	[sflag:s17] =	ssyncadd.s32 $0xFFFFD8F0  }
0x20: {  	[tilespmem:s0+$0xFFFFFFD0] =	vst v0  }
0x21: {  	[tilespmem:s0+$0xFFFFFFE0] =	vst v0  }
0x22: {  	[tilespmem:s0+$0xFFFFFFF0] =	vst v0  }
0x23: {  	[tilespmem:s0+$0x0] =	vst v0  }
0x24: {  	[tilespmem:s0+$0x10] =	vst v0  }
0x25: {  	[tilespmem:s0+$0x20] =	vst v0  }
0x26: {  	[tilespmem:s0+$0x30] =	vst v0  }
0x27: {  	s7 =	simm.s32 $0x0;
	s5 =	simm.s32 $0x40;
	[tilespmem:s0+$0xFFFFFFC0] =	vst v0  }
.LBB2_2:
0x28: {  	p0 =	sne.s32 s5, $0x9C0;
	[tilespmem:s7+$0x4F10] =	vst v0;
	s0 =	sadd.s32 $0x80, s0  }
0x29: {  	[tilespmem:s0+$0xFFFFFFD0] =	vst v0  }
0x2a: {  	[tilespmem:s0+$0xFFFFFFE0] =	vst v0  }
0x2b: {  	[tilespmem:s0+$0xFFFFFFF0] =	vst v0  }
.Ltmp0:
0x2c: {  	[tilespmem:s0+$0x0] =	vst v0;
	(pc) =	sbr.rel @p0 .LBB2_2-.Ltmp0, $4  }
0x2d: {  	[tilespmem:s0+$0x10] =	vst v0  }
0x2e: {  	[tilespmem:s0+$0x20] =	vst v0  }
0x2f: {  	[tilespmem:s0+$0x30] =	vst v0  }
0x30: {  	s7 =	sshra.s32 s5, $0x2;
	s5 =	sadd.s32 $0x40, s5;
	[tilespmem:s0+$0xFFFFFFC0] =	vst v0  }
0x31: {  	[tilespmem:s7+$0x4F10] =	vst v0  }
0x32: {  	[spmem:s14] =	stream.linear.scatter [tilespmem:s18], [sflag:$0x7], $0x1400, $0x38;
	[tilespmem:$0x1B990] =	vst v63  }
0x33: {  	_ =	swait.ge [sflag:s17], $0x1400  }
0x34: {  	[sflag:s17] =	ssyncset.done $0x0  }
0x35: {  	s0 =	sadd.s32 $0x0, s13;
	[sflag:s17] =	ssyncadd.s32 $0xFFFFEC00  }
0x36: {  	[spmem:s0] =	stream.linear.scatter [tilespmem:s19], [sflag:$0x7], $0x280, $0x38;
	[tilespmem:$0x1B990] =	vst v63  }
0x37: {  	_ =	swait.ge [sflag:s17], $0x280  }
0x38: {  	s5 =	smov.u32 s14;
	s0 =	simm.s32 $0xA00;
	[sflag:s17] =	ssyncset.done $0x0  }
.LBB2_4:
0x39: {  	p0 =	sne.s32 s0, $0x9600;
	[sflag:s17] =	ssyncadd.s32 $0xFFFFFD80;
	s5 =	sadd.s32 $0x1400, s5  }
0x3a: {  	[spmem:s5] =	stream.linear.scatter [tilespmem:s18], [sflag:$0x7], $0x1400, $0x38;
	[tilespmem:$0x1B990] =	vst v63  }
0x3b: {  	s7 =	smov.u32 s0;
	s0 =	sadd.s32 $0xA00, s0;
	_ =	swait.ge [sflag:s17], $0x1400  }
.Ltmp1:
0x3c: {  	s7 =	sshra.s32 s7, $0x2;
	[sflag:s17] =	ssyncset.done $0x0;
	(pc) =	sbr.rel @p0 .LBB2_4-.Ltmp1, $4  }
0x3d: {  	s7 =	sadd.s32 s7, s13;
	[sflag:s17] =	ssyncadd.s32 $0xFFFFEC00  }
0x3e: {  	[spmem:s7] =	stream.linear.scatter [tilespmem:s19], [sflag:$0x7], $0x280, $0x38;
	[tilespmem:$0x1B990] =	vst v63  }
0x3f: {  	_ =	swait.ge [sflag:s17], $0x280  }
0x40: {  	[sflag:s17] =	ssyncset.done $0x0  }
0x41: {  	[sflag:s17] =	ssyncadd.s32 $0xFFFFFD80  }
0x42: {  	[tilespmem:$0x4F10] =	vst v1  }
0x43: {  	[tilespmem:$0x4F20] =	vst v1  }
0x44: {  	[tilespmem:$0x4F30] =	vst v1  }
0x45: {  	[tilespmem:$0x4F40] =	vst v1  }
0x46: {  	[tilespmem:$0x4F50] =	vst v1  }
0x47: {  	[tilespmem:$0x4F60] =	vst v1  }
0x48: {  	[tilespmem:$0x4F70] =	vst v1  }
0x49: {  	[tilespmem:$0x4F80] =	vst v1  }
0x4a: {  	[tilespmem:$0x4F90] =	vst v1  }
0x4b: {  	[tilespmem:$0x4FA0] =	vst v1  }
0x4c: {  	[tilespmem:$0x4FB0] =	vst v1  }
0x4d: {  	[tilespmem:$0x4FC0] =	vst v1  }
0x4e: {  	[tilespmem:$0x4FD0] =	vst v1  }
0x4f: {  	[tilespmem:$0x4FE0] =	vst v1  }
0x50: {  	[tilespmem:$0x4FF0] =	vst v1  }
0x51: {  	[tilespmem:$0x5000] =	vst v1  }
0x52: {  	[tilespmem:$0x5010] =	vst v1  }
0x53: {  	[tilespmem:$0x5020] =	vst v1  }
0x54: {  	[tilespmem:$0x5030] =	vst v1  }
0x55: {  	[tilespmem:$0x5040] =	vst v1  }
0x56: {  	[tilespmem:$0x5050] =	vst v1  }
0x57: {  	[tilespmem:$0x5060] =	vst v1  }
0x58: {  	[tilespmem:$0x5070] =	vst v1  }
0x59: {  	[tilespmem:$0x5080] =	vst v1  }
0x5a: {  	[tilespmem:$0x5090] =	vst v1  }
0x5b: {  	[tilespmem:$0x50A0] =	vst v1  }
0x5c: {  	[tilespmem:$0x50B0] =	vst v1  }
0x5d: {  	[tilespmem:$0x50C0] =	vst v1  }
0x5e: {  	[tilespmem:$0x50D0] =	vst v1  }
0x5f: {  	[tilespmem:$0x50E0] =	vst v1  }
0x60: {  	[tilespmem:$0x50F0] =	vst v1  }
0x61: {  	[tilespmem:$0x5100] =	vst v1  }
0x62: {  	[tilespmem:$0x5110] =	vst v1  }
0x63: {  	[tilespmem:$0x5120] =	vst v1  }
0x64: {  	[tilespmem:$0x5130] =	vst v1  }
0x65: {  	[tilespmem:$0x5140] =	vst v1  }
0x66: {  	[tilespmem:$0x5150] =	vst v1  }
0x67: {  	[tilespmem:$0x5160] =	vst v1  }
0x68: {  	[tilespmem:$0x5170] =	vst v1  }
0x69: {  	[tilespmem:$0x5180] =	vst v1  }
0x6a: {  	s0 =	simm.s32 $0x0;
	[bflag:$0x0] =	sbarrier.arrive $0xFFFF  }
0x6b: {  	[tilespmem:s18], [sflag:$0x1] =	stream.linear.gather [hbm4b:s6+s0], $0x1400, $0x38;
	[tilespmem:$0x1B990] =	vst v63  }
0x6c: {  	_ = 	snop  }
0x6d: {  	[tilespmem:s20], [sflag:$0x2] =	stream.linear.gather [hbm4b:s10+s0], $0x1400, $0x38;
	[tilespmem:$0x1B990] =	vst v63  }
0x6e: {  	_ =	swait.ge [sflag:s21], $0x1400  }
0x6f: {  	[sflag:s21] =	ssyncset.done $0x0  }
0x70: {  	[sflag:s21] =	ssyncadd.s32 $0xFFFFEC00  }
0x71: {  	[spmem:s2] =	stream.indirect.scatter.add.f32 [tilespmem:s18], [sflag:$0x3], $0x80, s0, s22, $0xb8;
	[tilespmem:$0x1B990] =	vst v63  }
0x72: {  	_ = 	snop  }
0x73: {  	[spmem:s3] =	stream.indirect.scatter.add.f32 [tilespmem:s19], [sflag:$0x5], $0x10, s0, s22, $0xb8;
	[tilespmem:$0x1B990] =	vst v63  }
0x74: {  	_ =	swait.ge [sflag:s23], $0x1400  }
0x75: {  	[sflag:s23] =	ssyncset.done $0x0  }
0x76: {  	[sflag:s23] =	ssyncadd.s32 $0xFFFFEC00  }
0x77: {  	_ =	swait.ge [sflag:s26], $0x280  }
0x78: {  	[sflag:s26] =	ssyncset.done $0x0  }
0x79: {  	[sflag:s26] =	ssyncadd.s32 $0xFFFFFD80  }
0x7a: {  	[tilespmem:s18], [sflag:$0x1] =	stream.linear.gather [hbm4b:s11+s0], $0x1400, $0x38;
	[tilespmem:$0x1B990] =	vst v63  }
0x7b: {  	_ =	swait.ge [sflag:s28], $0x1400  }
0x7c: {  	[sflag:s28] =	ssyncset.done $0x0  }
0x7d: {  	[sflag:s28] =	ssyncadd.s32 $0xFFFFEC00  }
0x7e: {  	[spmem:s2] =	stream.indirect.scatter.add.f32 [tilespmem:s20], [sflag:$0x4], $0x80, s22, s22, $0xb8;
	[tilespmem:$0x1B990] =	vst v63  }
0x7f: {  	_ = 	snop  }
0x80: {  	[spmem:s3] =	stream.indirect.scatter.add.f32 [tilespmem:s19], [sflag:$0x6], $0x10, s22, s22, $0xb8;
	[tilespmem:$0x1B990] =	vst v63  }
0x81: {  	_ =	swait.ge [sflag:s29], $0x1400  }
0x82: {  	[sflag:s29] =	ssyncset.done $0x0  }
0x83: {  	[sflag:s29] =	ssyncadd.s32 $0xFFFFEC00  }
0x84: {  	_ =	swait.ge [sflag:s30], $0x280  }
0x85: {  	[sflag:s30] =	ssyncset.done $0x0  }
0x86: {  	s5 =	sadd.s32 $0x0, s16;
	[sflag:s30] =	ssyncadd.s32 $0xFFFFFD80  }
0x87: {  	[tilespmem:s20], [sflag:$0x2] =	stream.linear.gather [hbm4b:s5+s4], $0x1400, $0x38;
	[tilespmem:$0x1B990] =	vst v63  }
0x88: {  	_ =	swait.ge [sflag:s21], $0x1400  }
0x89: {  	[sflag:s21] =	ssyncset.done $0x0  }
0x8a: {  	s7 =	simm.s32 $0x50;
	[sflag:s21] =	ssyncadd.s32 $0xFFFFEC00  }
0x8b: {  	[spmem:s2] =	stream.indirect.scatter.add.f32 [tilespmem:s18], [sflag:$0x3], $0x80, s7, s22, $0xb8;
	[tilespmem:$0x1B990] =	vst v63  }
0x8c: {  	_ = 	snop  }
0x8d: {  	[spmem:s3] =	stream.indirect.scatter.add.f32 [tilespmem:s19], [sflag:$0x5], $0x10, s7, s22, $0xb8;
	[tilespmem:$0x1B990] =	vst v63  }
0x8e: {  	_ =	swait.ge [sflag:s23], $0x1400  }
0x8f: {  	[sflag:s23] =	ssyncset.done $0x0  }
0x90: {  	[sflag:s23] =	ssyncadd.s32 $0xFFFFEC00  }
0x91: {  	_ =	swait.ge [sflag:s26], $0x280  }
0x92: {  	[sflag:s26] =	ssyncset.done $0x0  }
0x93: {  	s8 =	sadd.s32 $0x0, s15;
	[sflag:s26] =	ssyncadd.s32 $0xFFFFFD80  }
0x94: {  	[tilespmem:s18], [sflag:$0x1] =	stream.linear.gather [hbm4b:s8+s4], $0x1400, $0x38;
	[tilespmem:$0x1B990] =	vst v63  }
0x95: {  	_ =	swait.ge [sflag:s28], $0x1400  }
0x96: {  	s0 =	simm.s32 $0xA0;
	[sflag:s28] =	ssyncset.done $0x0  }
0x97: {  	s5 =	simm.s32 $0x500;
	s7 =	simm.s32 $0x78;
	[sflag:s28] =	ssyncadd.s32 $0xFFFFEC00  }
0x98: {  	[spmem:s2] =	stream.indirect.scatter.add.f32 [tilespmem:s20], [sflag:$0x4], $0x80, s7, s22, $0xb8;
	[tilespmem:$0x1B990] =	vst v63  }
.LBB2_6:
0x99: {  	[spmem:s3] =	stream.indirect.scatter.add.f32 [tilespmem:s19], [sflag:$0x6], $0x10, s7, s22, $0xb8;
	[tilespmem:$0x1B990] =	vst v63  }
0x9a: {  	s7 =	smov.u32 s5  }
0x9b: {  	p0 =	sne.s32 s5, $0x26200;
	s5 =	sadd.s32 $0x500, s5;
	_ =	swait.ge [sflag:s29], $0x1400  }
0x9c: {  	[sflag:s29] =	ssyncset.done $0x0  }
0x9d: {  	[sflag:s29] =	ssyncadd.s32 $0xFFFFEC00  }
0x9e: {  	_ =	swait.ge [sflag:s30], $0x280  }
0x9f: {  	[sflag:s30] =	ssyncset.done $0x0  }
0xa0: {  	s8 =	sadd.s32 s7, s16;
	[sflag:s30] =	ssyncadd.s32 $0xFFFFFD80  }
0xa1: {  	[tilespmem:s20], [sflag:$0x2] =	stream.linear.gather [hbm4b:s8+s4], $0x1400, $0x38;
	[tilespmem:$0x1B990] =	vst v63  }
0xa2: {  	_ =	swait.ge [sflag:s21], $0x1400  }
0xa3: {  	[sflag:s21] =	ssyncset.done $0x0  }
0xa4: {  	[sflag:s21] =	ssyncadd.s32 $0xFFFFEC00  }
0xa5: {  	[spmem:s2] =	stream.indirect.scatter.add.f32 [tilespmem:s18], [sflag:$0x3], $0x80, s0, s22, $0xb8;
	[tilespmem:$0x1B990] =	vst v63  }
0xa6: {  	_ = 	snop  }
0xa7: {  	[spmem:s3] =	stream.indirect.scatter.add.f32 [tilespmem:s19], [sflag:$0x5], $0x10, s0, s22, $0xb8;
	[tilespmem:$0x1B990] =	vst v63  }
0xa8: {  	_ =	swait.ge [sflag:s23], $0x1400  }
0xa9: {  	[sflag:s23] =	ssyncset.done $0x0  }
0xaa: {  	[sflag:s23] =	ssyncadd.s32 $0xFFFFEC00  }
0xab: {  	_ =	swait.ge [sflag:s26], $0x280  }
0xac: {  	[sflag:s26] =	ssyncset.done $0x0  }
0xad: {  	s7 =	sadd.s32 s7, s15;
	[sflag:s26] =	ssyncadd.s32 $0xFFFFFD80  }
0xae: {  	[tilespmem:s18], [sflag:$0x1] =	stream.linear.gather [hbm4b:s7+s4], $0x1400, $0x38;
	[tilespmem:$0x1B990] =	vst v63  }
.Ltmp2:
0xaf: {  	_ =	swait.ge [sflag:s28], $0x1400;
	(pc) =	sbr.rel @p0 .LBB2_6-.Ltmp2, $4  }
0xb0: {  	[sflag:s28] =	ssyncset.done $0x0  }
0xb1: {  	s7 =	sadd.s32 $0x28, s0;
	[sflag:s28] =	ssyncadd.s32 $0xFFFFEC00  }
0xb2: {  	[spmem:s2] =	stream.indirect.scatter.add.f32 [tilespmem:s20], [sflag:$0x4], $0x80, s7, s22, $0xb8;
	[tilespmem:$0x1B990] =	vst v63  }
0xb3: {  	s0 =	sadd.s32 $0x50, s0  }
0xb4: {  	[spmem:s3] =	stream.indirect.scatter.add.f32 [tilespmem:s19], [sflag:$0x6], $0x10, s7, s22, $0xb8;
	[tilespmem:$0x1B990] =	vst v63  }
0xb5: {  	_ =	swait.ge [sflag:s29], $0x1400  }
0xb6: {  	[sflag:s29] =	ssyncset.done $0x0  }
0xb7: {  	[sflag:s29] =	ssyncadd.s32 $0xFFFFEC00  }
0xb8: {  	_ =	swait.ge [sflag:s30], $0x280  }
0xb9: {  	[sflag:s30] =	ssyncset.done $0x0  }
0xba: {  	[sflag:s30] =	ssyncadd.s32 $0xFFFFFD80  }
0xbb: {  	[tilespmem:s20], [sflag:$0x2] =	stream.linear.gather [hbm4b:s12+s4], $0x1400, $0x38;
	[tilespmem:$0x1B990] =	vst v63  }
0xbc: {  	_ =	swait.ge [sflag:s21], $0x1400  }
0xbd: {  	[sflag:s21] =	ssyncset.done $0x0  }
0xbe: {  	[sflag:s21] =	ssyncadd.s32 $0xFFFFEC00  }
0xbf: {  	[spmem:s2] =	stream.indirect.scatter.add.f32 [tilespmem:s18], [sflag:$0x3], $0x80, s0, s22, $0xb8;
	[tilespmem:$0x1B990] =	vst v63  }
0xc0: {  	_ = 	snop  }
0xc1: {  	[spmem:s3] =	stream.indirect.scatter.add.f32 [tilespmem:s19], [sflag:$0x5], $0x10, s0, s22, $0xb8;
	[tilespmem:$0x1B990] =	vst v63  }
0xc2: {  	_ =	swait.ge [sflag:s23], $0x1400  }
0xc3: {  	[sflag:s23] =	ssyncset.done $0x0  }
0xc4: {  	[sflag:s23] =	ssyncadd.s32 $0xFFFFEC00  }
0xc5: {  	_ =	swait.ge [sflag:s26], $0x280  }
0xc6: {  	[sflag:s26] =	ssyncset.done $0x0  }
0xc7: {  	[sflag:s26] =	ssyncadd.s32 $0xFFFFFD80  }
0xc8: {  	_ =	swait.ge [sflag:s28], $0x1400  }
0xc9: {  	[sflag:s28] =	ssyncset.done $0x0  }
0xca: {  	[sflag:s28] =	ssyncadd.s32 $0xFFFFEC00  }
0xcb: {  	[spmem:s2] =	stream.indirect.scatter.add.f32 [tilespmem:s20], [sflag:$0x4], $0x80, s31, s22, $0xb8;
	[tilespmem:$0x1B990] =	vst v63  }
0xcc: {  	_ = 	snop  }
0xcd: {  	[spmem:s3] =	stream.indirect.scatter.add.f32 [tilespmem:s19], [sflag:$0x6], $0x10, s31, s22, $0xb8;
	[tilespmem:$0x1B990] =	vst v63  }
0xce: {  	_ =	swait.ge [sflag:s29], $0x1400  }
0xcf: {  	[sflag:s29] =	ssyncset.done $0x0  }
0xd0: {  	[sflag:s29] =	ssyncadd.s32 $0xFFFFEC00  }
0xd1: {  	_ =	swait.ge [sflag:s30], $0x280  }
0xd2: {  	[sflag:s30] =	ssyncset.done $0x0  }
0xd3: {  	s7 =	stileid.u32;
	[sflag:s30] =	ssyncadd.s32 $0xFFFFFD80  }
0xd4: {  	s0 =	sshll.u32 s7, $0x6;
	[bflag:$0x0] =	sbarrier.arrive $0xFFFF  }
0xd5: {  	s0 =	sor.u32 $0x1C07, s0;
	s5 =	rddreg [dreg:$0x6]  }
0xd6: {  	[hbm:s5], [sflag:s0] =	dma.local [spmem:s24], $0x2800  }
0xd7: {  	s1 =	sadd.s32 $0x1, s1;
	_ =	swait.ge [sflag:s17], $0x2800  }
0xd8: {  	p0 =	sne.s32 s1, s9;
	[sflag:s17] =	ssyncset.done $0x0  }
.Ltmp3:
0xd9: {  	s8 =	rddreg [dreg:$0x7];
	[sflag:s17] =	ssyncadd.s32 $0xFFFFD800;
	(pc) =	sbr.rel @p0 .LBB2_1-.Ltmp3, $4  }
0xda: {  	[hbm:s8], [sflag:s0] =	dma.local [spmem:s25], $0x500  }
0xdb: {  	_ =	swait.ge [sflag:s17], $0x500  }
0xdc: {  	[sflag:s17] =	ssyncset.done $0x0  }
0xdd: {  	[sflag:s17] =	ssyncadd.s32 $0xFFFFFB00  }
0xde: {  	_ =	sfence.sel $0x180000  }
0xdf: {  	[bflag:$0x0] =	sbarrier.arrive $0xFFFF  }
0xe0: {  	_ =	strace $0x9000004A  }
0xe1: {  	s0 =	stileid.u32;
	[bflag:$0x2] =	sbarrier.arrive $0xFFFF  }
0xe2: {  	p0 =	sne.s32 s0, $0x0;
	s0 =	rddreg [dreg:$0x4]  }
0xe3: {  	s0 =	sadd.s32 @!p0 $0x100000, s0  }
0xe4: {  	[sflag:s0] =	ssyncadd.tile.s32 @!p0 $0x1;
	_ =	shalt  }
.Lfunc_end2:
_tile_overlayer_lowered:
.L_overlay_start_2:
0xe5: {  	(tag) =	ssettag $0x2  }
0xe6: {  	s0 =	rddreg [dreg:$0x0];
	s2 =	stileid.u32  }
0xe7: {  	s1 =	rddreg [dreg:$0x1];
	p0 =	sne.s32 s2, $0x0  }
0xe8: {  	s3 =	rddreg [dreg:$0x2];
	[bflag:$0x3] =	sbarrier.arrive $0xFFFF;
	s2 =	simm.s32 @!p0 $0x1C07  }
0xe9: {  	[timem:s3], [sflag:s2] =	dma.local @!p0 [hbm:s0], s1  }
0xea: {  	s0 =	simm.s32 @!p0 $0x7  }
0xeb: {  	_ =	swait.ge @!p0 [sflag:s0], s1  }
0xec: {  	s1 =	ssub.s32 @!p0 $0x0, s1;
	[sflag:s0] =	ssyncset.done @!p0 $0x0  }
0xed: {  	[sflag:s0] =	ssyncadd.s32 @!p0 s1  }
0xee: {  	[bflag:$0x3] =	sbarrier.arrive $0xFFFF  }
0xef: {  	_ =	shalt  }

// kernel: kernel.7.cloned.1.call-start
scs
__scs_entry_jumppad:
0x0: {  	(pc) =	sbr.rel $0x88, $3  }
0x1: {  	(tag) =	ssettag $0x0;
	lr =	simm.s32 $0x1  }
0x2: {  	[smem:$0x3F94] =	sst lr;
	_ =	strace $0xD0000000  }
0x3: {  	_ = 	snop  }
0x4: {  	_ = 	snop  }
0x5: {  	_ = 	snop  }
0x6: {  	_ = 	snop  }
0x7: {  	_ = 	snop  }
__scs_overlays_trampoline_lowered:
0x8: {  	[smem:$0x3FA3] =	sst s0  }
0x9: {  	[smem:$0x3FA4] =	sst s1  }
0xa: {  	[smem:$0x3FA5] =	sst s2  }
0xb: {  	[smem:$0x3FA6] =	sst s3  }
0xc: {  	[smem:$0x3FA7] =	sst s4  }
0xd: {  	[smem:$0x3FA8] =	sst s5  }
0xe: {  	[smem:$0x3FA9] =	sst s6  }
0xf: {  	[smem:$0x3FAA] =	sst s7  }
0x10: {  	[smem:$0x3FAB] =	sst s8  }
0x11: {  	[smem:$0x3FAC] =	sst s9;
	s0 =	simm.s32 @!p0 $0x0  }
0x12: {  	s1 =	sld [smem:$0x3F92];
	s0 =	simm.s32 @p0 $0x1  }
0x13: {  	[smem:$0x3FAD] =	sst s0;
	s0 =	simm.s32 @!p1 $0x0  }
0x14: {  	s2 =	sld [smem:$0x3F91];
	s0 =	simm.s32 @p1 $0x1  }
0x15: {  	[smem:$0x3FAE] =	sst s0;
	s0 =	simm.s32 @!p2 $0x0  }
0x16: {  	s3 =	sld [smem:$0x3FDB];
	s0 =	simm.s32 @p2 $0x1  }
0x17: {  	s4 =	simm.s32 $0x1BF5;
	[smem:$0x3FB0] =	sst s0  }
0x18: {  	s0 =	sld [smem:$0x3F93];
	_ =	swait.ge [sflag:s4], $0x0  }
0x19: {  	s7 =	sld [smem:$0x3F94]  }
0x1a: {  	s8 =	sadd.s32 $0xFFFFE003, lr  }
0x1b: {  	s9 =	sadd.s32 $0xFFFFFEF7, lr;
	s5 =	simm.s32 $0xFFFFFFFF;
	p2 =	slt.u32 s8, $0xFFFFF086  }
0x1c: {  	p1 =	slt.u32 s9, $0xF7A;
	s5 =	simm.s32 @!p2 $0x0  }
0x1d: {  	s5 =	simm.s32 @p1 $0x1;
	p0 =	seq.s32 s7, s2  }
0x1e: {  	s7 =	smul.u32 @!p0 $0xF7A, s2;
	p2 =	seq.s32 @!p0 s5, $0x0  }
0x1f: {  	s9 =	smul.u32 $0xF7A, s1;
	s8 =	simm.s32 @!p0 $0x1BF5;
	p2 =	por !p2, p0  }
0x20: {  	[sflag:s8] =	ssyncset.s32 @!p0 $0xFFFFF086;
	s6 =	sadd.s32 @!p0 s3, s7;
	s7 =	simm.s32 @!p0 $0x108  }
0x21: {  	s3 =	sadd.s32 s3, s9;
	s6 =	sadd.s32 @!p0 $0x88, s6;
	s7 =	simm.s32 @p2 $0x1082  }
0x22: {  	[simem:s7], [sflag:s8] =	dma.local @!p0 [hbm:s6], $0xF7A  }
0x23: {  	s9 =	sor.u32 $0xD0000000, s2;
	s6 =	simm.s32 $0x108;
	_ =	swait.ge @!p0 [sflag:s8], $0x0  }
0x24: {  	s3 =	sadd.s32 $0x88, s3;
	s6 =	simm.s32 @!p1 $0x1082;
	[sflag:s4] =	ssyncset.s32 $0xFFFFF086  }
0x25: {  	[simem:s6], [sflag:s4] =	dma.local [hbm:s3], $0xF7A  }
0x26: {  	[smem:$0x3F94] =	sst s1;
	(tag) =	ssettag s2;
	_ =	strace s9  }
0x27: {  	s1 =	sld [smem:$0x3FA4]  }
0x28: {  	s2 =	sld [smem:$0x3FA5]  }
0x29: {  	s4 =	sld [smem:$0x3FA7]  }
0x2a: {  	p0 =	seq.s32 s5, $0x0;
	s5 =	sld [smem:$0x3FA8]  }
0x2b: {  	s6 =	sld [smem:$0x3FA9]  }
0x2c: {  	s7 =	sld [smem:$0x3FAA]  }
0x2d: {  	s3 =	simm.s32 $0x108;
	s8 =	sld [smem:$0x3FAB]  }
0x2e: {  	s3 =	simm.s32 @!p0 $0x1082;
	s9 =	sld [smem:$0x3FAC]  }
0x2f: {  	lr =	sadd.s32 s0, s3;
	s0 =	sld [smem:$0x3FA3]  }
0x30: {  	s3 =	sld [smem:$0x3FA6]  }
0x31: {  	[smem:$0x3FAF] =	sst s10  }
0x32: {  	s10 =	sld [smem:$0x3FAD];
	_ =	sdelay $0x3  }
0x33: {  	p0 =	seq.s32 s10, $0x1;
	s10 =	sld [smem:$0x3FAF];
	_ =	sdelay $0x3  }
0x34: {  	[smem:$0x3FAF] =	sst s10  }
0x35: {  	s10 =	sld [smem:$0x3FAE];
	_ =	sdelay $0x3  }
0x36: {  	p1 =	seq.s32 s10, $0x1;
	s10 =	sld [smem:$0x3FAF];
	_ =	sdelay $0x3  }
0x37: {  	[smem:$0x3FAF] =	sst s10  }
0x38: {  	s10 =	sld [smem:$0x3FB0]  }
0x39: {  	_ = 	snop;
	(pc) =	sbr.ind lr, $3  }
0x3a: {  	_ = 	snop  }
0x3b: {  	_ = 	snop  }
0x3c: {  	p2 =	seq.s32 s10, $0x1;
	s10 =	sld [smem:$0x3FAF]  }
0x3d: {  	_ =	shalt  }
0x3e: {  	_ =	shalt  }
0x3f: {  	_ =	shalt  }
0x40: {  	_ =	shalt  }
0x41: {  	_ =	shalt  }
0x42: {  	_ =	shalt  }
0x43: {  	_ =	shalt  }
0x44: {  	_ =	shalt  }
0x45: {  	_ =	shalt  }
0x46: {  	_ =	shalt  }
0x47: {  	_ =	shalt  }
0x48: {  	_ =	shalt  }
0x49: {  	_ =	shalt  }
0x4a: {  	_ =	shalt  }
0x4b: {  	_ =	shalt  }
0x4c: {  	_ =	shalt  }
0x4d: {  	_ =	shalt  }
0x4e: {  	_ =	shalt  }
0x4f: {  	_ =	shalt  }
0x50: {  	_ =	shalt  }
0x51: {  	_ =	shalt  }
0x52: {  	_ =	shalt  }
0x53: {  	_ =	shalt  }
0x54: {  	_ =	shalt  }
0x55: {  	_ =	shalt  }
0x56: {  	_ =	shalt  }
0x57: {  	_ =	shalt  }
0x58: {  	_ =	shalt  }
0x59: {  	_ =	shalt  }
0x5a: {  	_ =	shalt  }
0x5b: {  	_ =	shalt  }
0x5c: {  	_ =	shalt  }
0x5d: {  	_ =	shalt  }
0x5e: {  	_ =	shalt  }
0x5f: {  	_ =	shalt  }
0x60: {  	_ =	shalt  }
0x61: {  	_ =	shalt  }
0x62: {  	_ =	shalt  }
0x63: {  	_ =	shalt  }
0x64: {  	_ =	shalt  }
0x65: {  	_ =	shalt  }
0x66: {  	_ =	shalt  }
0x67: {  	_ =	shalt  }
0x68: {  	_ =	shalt  }
0x69: {  	_ =	shalt  }
0x6a: {  	_ =	shalt  }
0x6b: {  	_ =	shalt  }
0x6c: {  	_ =	shalt  }
0x6d: {  	_ =	shalt  }
0x6e: {  	_ =	shalt  }
0x6f: {  	_ =	shalt  }
0x70: {  	_ =	shalt  }
0x71: {  	_ =	shalt  }
0x72: {  	_ =	shalt  }
0x73: {  	_ =	shalt  }
0x74: {  	_ =	shalt  }
0x75: {  	_ =	shalt  }
0x76: {  	_ =	shalt  }
0x77: {  	_ =	shalt  }
0x78: {  	_ =	shalt  }
0x79: {  	_ =	shalt  }
0x7a: {  	_ =	shalt  }
0x7b: {  	_ =	shalt  }
0x7c: {  	_ =	shalt  }
0x7d: {  	_ =	shalt  }
0x7e: {  	_ =	shalt  }
0x7f: {  	_ =	shalt  }
0x80: {  	_ =	shalt  }
0x81: {  	_ =	shalt  }
0x82: {  	_ =	shalt  }
0x83: {  	_ =	shalt  }
0x84: {  	_ =	shalt  }
0x85: {  	_ =	shalt  }
0x86: {  	_ =	shalt  }
0x87: {  	_ =	shalt  }
.Lfunc_end0:
.L_simem_size_0:
called_computation_lowered:
.L_overlay_start_0:
0x88: {  	s2 =	sld [smem:$0x3FD9]  }
0x89: {  	s3 =	sld [smem:$0x3FFE];
	_ =	sdelay $0x1  }
0x8a: {  	s1 =	srdreg.scid  }
0x8b: {  	s0 =	sand.u32 $0x1, s1  }
0x8c: {  	s17 =	sshll.u32 s0, $0xA;
	s2 =	sadd.s32 s3, s2  }
0x8d: {  	s2 =	sadd.s32 s2, s17  }
0x8e: {  	[smem:$0x3FBB] =	sst s2  }
0x8f: {  	_ = 	snop  }
0x90: {  	s2 =	sld [smem:$0x3FD0];
	(tm) =	ssettm $0x1  }
0x91: {  	s18 =	sld [smem:$0x3FFB];
	_ =	sdelay $0x3  }
0x92: {  	_ =	strace s18  }
0x93: {  	s3 =	sld [smem:$0x3FFC];
	_ =	sdelay $0x3  }
0x94: {  	_ =	strace s3  }
0x95: {  	s3 =	sld [smem:$0x3FFD];
	_ =	sdelay $0x3  }
0x96: {  	_ =	strace s3  }
0x97: {  	_ =	strace $0x8FFFFFFF  }
0x98: {  	s19 =	sld [smem:$0x3FDB];
	_ =	sdelay $0x1  }
0x99: {  	s4 =	simm.s32 $_scs_section_size  }
0x9a: {  	s5 =	simm.s32 $_size__tile_overlayer_lowered;
	s6 =	simm.s32 $_tile_overlayer_lowered  }
0x9b: {  	s22 =	simm.s32 $0x1BFF;
	s21 =	sshll.u32 s6, $0x1;
	s3 =	sadd.s32 s4, s19  }
0x9c: {  	s7 =	simm.s32 $0x0;
	s20 =	sshll.u32 s5, $0x1;
	s5 =	sadd.s32 s21, s3  }
0x9d: {  	[timem:s7], [sflag:s22] =	dma.local [hbm:s5], s20  }
0x9e: {  	_ =	swait.ge [sflag:s22], s20  }
0x9f: {  	s4 =	ssub.s32 $0x0, s20;
	[sflag:s22] =	ssyncset.done $0x0  }
0xa0: {  	[sflag:s22] =	ssyncadd.s32 s4;
	_ =	sdelay $0x1  }
0xa1: {  	s23 =	simm.s32 $0x1B8B  }
0xa2: {  	_ =	swait.ge [sflag:s23], $0x1  }
0xa3: {  	[sflag:s23] =	ssyncset.done $0x0  }
0xa4: {  	s25 =	simm.s32 $0x1B8E;
	s24 =	sld [smem:$0x3FFE];
	[sflag:s23] =	ssyncadd.s32 $0xFFFFFFFF  }
0xa5: {  	s26 =	simm.s32 $execute0_lowered;
	[smem:$0x3FD2] =	sst s25  }
0xa6: {  	s5 =	sshll.u32 s26, $0x1;
	_ =	strace $0x80000046;
	[dreg:$0x1] =	wrdreg $0xFFFFFFFF  }
0xa7: {  	s28 =	simm.s32 $_size_execute0_lowered;
	s3 =	sadd.s32 s3, s5;
	[dreg:$0x0] =	wrdreg $0x0  }
0xa8: {  	s5 =	sshll.u32 s28, $0x1;
	[dreg:$0x2] =	wrdreg s3  }
0xa9: {  	[dreg:$0x3] =	wrdreg s5  }
0xaa: {  	[dreg:$0x4] =	wrdreg $0xC0  }
0xab: {  	_ =	task [dreg:s7], $0x5FFFF  }
0xac: {  	[dreg:$0x1] =	wrdreg $0xFFFFFFFF  }
0xad: {  	[dreg:$0x0] =	wrdreg $0x60  }
0xae: {  	[dreg:$0x2] =	wrdreg s2  }
0xaf: {  	[dreg:$0x3] =	wrdreg s24  }
0xb0: {  	[dreg:$0x4] =	wrdreg $0x9  }
0xb1: {  	_ =	task.clear_ibuf [dreg:s7], $0x5FFFF;
	_ =	strace $0x90000046  }
0xb2: {  	s29 =	simm.s32 $0x9;
	_ =	strace $0x80000048  }
0xb3: {  	_ =	swait.ge [sflag:s29], $0x1  }
0xb4: {  	[sflag:s29] =	ssyncadd.s32 $0xFFFFFFFF  }
0xb5: {  	_ =	strace $0x90000048  }
0xb6: {  	_ =	sfence  }
0xb7: {  	s30 =	sld [smem:$0x0];
	_ =	sdelay $0x2  }
0xb8: {  	s31 =	sshll.u32 s1, $0xD;
	s1 =	sshrl.u32 s1, $0x2  }
0xb9: {  	s3 =	sand.u32 $0x4000, s31;
	s1 =	sadd.s32 s1, s30  }
0xba: {  	s0 =	sor.u32 s3, s0;
	s1 =	sshll.u32 s1, $0x11  }
0xbb: {  	s0 =	sor.u32 s1, s0  }
0xbc: {  	s0 =	sadd.s32 $0x8F2B, s0  }
0xbd: {  	[sflag:s0] =	ssyncadd.remote.s32 $0x1  }
0xbe: {  	_ =	sfence.sel $0xFFFF  }
0xbf: {  	[dreg:$0x0] =	wrdreg $0xFFFFFFFF;
	(pc) =	sbr.abs _section_cstart, $3  }
0xc0: {  	[dreg:$0x1] =	wrdreg $0xFFFFFFFF  }
0xc1: {  	_ =	task.clear_ibuf [dreg:s7], $0x2FFFF;
	_ =	strace $0x9FFFFFFF  }
0xc2: {  	(tm) =	ssettm $0x7FFFFFFF  }
0xc3: {  	_ =	shalt  }
tec
execute0_lowered:
.L_overlay_start_1:
0x0: {  	(tag) =	ssettag $0x1  }
0x1: {  	s0 =	srdreg.scid  }
0x2: {  	s2 =	rddreg [dreg:$0x0];
	s3 =	stileid.u32  }
0x3: {  	s7 =	rddreg [dreg:$0x1];
	s11 =	simm.s32 $0x9;
	s13 =	simm.s32 $0x28  }
0x4: {  	s16 =	simm.s32 $0x5AA0;
	s17 =	simm.s32 $0x73A0;
	s18 =	simm.s32 $0x1  }
0x5: {  	s19 =	simm.s32 $0x3;
	s20 =	simm.s32 $0x8020;
	s21 =	simm.s32 $0x9420  }
0x6: {  	s22 =	simm.s32 $0x2;
	s23 =	simm.s32 $0x4;
	s0 =	sand.u32 $0x1, s0  }
0x7: {  	s24 =	simm.s32 $0x8A20;
	s25 =	simm.s32 $0x96A0;
	s1 =	sshll.u32 s0, $0x4  }
0x8: {  	s28 =	simm.s32 $0x7;
	s29 =	simm.s32 $0x6;
	s1 =	sor.u32 s3, s1  }
0x9: {  	s30 =	simm.s32 $0x8;
	s0 =	ssub.s32 $0x2, s0;
	s4 =	smul.u32 $0x2710, s1  }
0xa: {  	s31 =	simm.s32 $0x0;
	s5 =	sadd.s32 $0x2C800, s7;
	s8 =	sshrl.u32 s0, $0x1  }
0xb: {  	s3 =	simm.s32 $0x0;
	s0 =	ssub.s32 s0, s8;
	s1 =	sshrl.u32 s4, $0x3  }
0xc: {  	[smem:$0x7FF] =	sst s3;
	s0 =	smax.u32 s0, $0x1;
	s1 =	sadd.s32 s1, s7  }
0xd: {  	_ =	strace $0x80000047;
	[dreg:$0x5] =	wrdreg s0;
	s26 =	sadd.s32 $0x4F600, s1  }
0xe: {  	s6 =	sadd.s32 $0x59400, s7;
	s1 =	sadd.s32 $0x45800, s1;
	[dreg:$0x3] =	wrdreg s26  }
0xf: {  	s7 =	sadd.s32 $0x2CA400, s7;
	[dreg:$0x4] =	wrdreg s1;
	s26 =	simm.s32 $0x5  }
.LBB2_1:
0x10: {  	s0 =	rddreg [dreg:$0x3]  }
0x11: {  	[tilespmem:s3], [sflag:$0x9] =	stream.linear.gather [hbm4b:s0+s3], $0x2710, $0x38;
	[tilespmem:$0x9920] =	vst v63  }
0x12: {  	_ =	swait.ge [sflag:s11], $0x2710  }
0x13: {  	[sflag:s11] =	ssyncset.done $0x0  }
0x14: {  	s1 =	simm.s32 $0x2710;
	s12 =	rddreg [dreg:$0x4];
	[sflag:s11] =	ssyncadd.s32 $0xFFFFD8F0  }
0x15: {  	[tilespmem:s1], [sflag:$0x9] =	stream.linear.gather [hbm4b:s12+s3], $0x2710, $0x38;
	[tilespmem:$0x9920] =	vst v63  }
0x16: {  	_ =	swait.ge [sflag:s11], $0x2710  }
0x17: {  	[sflag:s11] =	ssyncset.done $0x0  }
0x18: {  	s14 =	simm.s32 $0x4E20;
	[sflag:s11] =	ssyncadd.s32 $0xFFFFD8F0  }
0x19: {  	[tilespmem:s14], [sflag:$0x1] =	stream.indirect.gather [hbm4b:s2+s13], $0x50, s3, s13, $0xb8;
	[tilespmem:$0x9920] =	vst v63  }
0x1a: {  	s15 =	simm.s32 $0x6720  }
0x1b: {  	[tilespmem:s15], [sflag:$0x3] =	stream.indirect.gather [hbm4b:s5+s13], $0x50, s1, s13, $0xb8;
	[tilespmem:$0x9920] =	vst v63  }
0x1c: {  	s1 =	simm.s32 $0x0  }
.LBB2_2:
0x1d: {  	s14 =	smul.u32 $0x50, s1;
	_ =	sdelay $0x1  }
0x1e: {  	s0 =	sadd.s32 $0x28, s14  }
0x1f: {  	[tilespmem:s16], [sflag:$0x2] =	stream.indirect.gather [hbm4b:s2+s13], $0x50, s0, s13, $0xb8;
	[tilespmem:$0x9920] =	vst v63  }
0x20: {  	s8 =	sadd.s32 $0x2738, s14  }
0x21: {  	[tilespmem:s17], [sflag:$0x4] =	stream.indirect.gather [hbm4b:s5+s13], $0x50, s8, s13, $0xb8;
	[tilespmem:$0x9920] =	vst v63  }
0x22: {  	_ =	swait.ge [sflag:s18], $0xC80  }
0x23: {  	[sflag:s18] =	ssyncset.done $0x0  }
0x24: {  	[sflag:s18] =	ssyncadd.s32 $0xFFFFF380  }
0x25: {  	_ =	swait.ge [sflag:s19], $0xC80  }
0x26: {  	p0 =	seq.s32 s1, $0x0;
	[sflag:s19] =	ssyncset.done $0x0  }
0x27: {  	s8 =	simm.s32 @!p0 $0x5;
	[sflag:s19] =	ssyncadd.s32 $0xFFFFF380  }
0x28: {  	_ =	swait.ge @!p0 [sflag:s8], $0xA00  }
0x29: {  	[sflag:s8] =	ssyncset.done @!p0 $0x0  }
0x2a: {  	[sflag:s8] =	ssyncadd.s32 @!p0 $0xFFFFF600;
	s8 =	simm.s32 @!p0 $0x7  }
0x2b: {  	_ =	swait.ge @!p0 [sflag:s8], $0x280  }
0x2c: {  	[sflag:s8] =	ssyncset.done @!p0 $0x0  }
0x2d: {  	s12 =	simm.s32 $0x0;
	[sflag:s8] =	ssyncadd.s32 @!p0 $0xFFFFFD80  }
0x2e: {  	v0 =	vld [tilespmem:s12+$0x4E20]  }
0x2f: {  	v1 =	vld [tilespmem:s12+$0x6720];
	_ =	sdelay $0x4  }
0x30: {  	v0 =	vadd.bf16 v1, v0  }
0x31: {  	s15 =	simm.s32 $0x8040  }
0x32: {  	[tilespmem:s15+$0xFFFFFFE0] =	vst v0  }
0x33: {  	v0 =	vld [tilespmem:s12+$0x4E30]  }
0x34: {  	v1 =	vld [tilespmem:s12+$0x6730];
	_ =	sdelay $0x4  }
0x35: {  	v0 =	vadd.bf16 v1, v0;
	_ =	sdelay $0x1  }
0x36: {  	[tilespmem:s15+$0xFFFFFFF0] =	vst v0  }
0x37: {  	v0 =	vld [tilespmem:s12+$0x4E40]  }
0x38: {  	v1 =	vld [tilespmem:s12+$0x6740];
	_ =	sdelay $0x4  }
0x39: {  	v0 =	vadd.bf16 v1, v0;
	_ =	sdelay $0x1  }
0x3a: {  	[tilespmem:s15+$0x0] =	vst v0  }
0x3b: {  	v0 =	vld [tilespmem:s12+$0x4E50]  }
0x3c: {  	v1 =	vld [tilespmem:s12+$0x6750];
	_ =	sdelay $0x4  }
0x3d: {  	v0 =	vadd.bf16 v1, v0;
	_ =	sdelay $0x1  }
0x3e: {  	[tilespmem:s15+$0x10] =	vst v0  }
0x3f: {  	v0 =	vld [tilespmem:s12+$0x4E60]  }
0x40: {  	s9 =	simm.s32 $0x140;
	s8 =	simm.s32 $0x9420;
	v1 =	vld [tilespmem:s12+$0x6760];
	s12 =	simm.s32 $0x9420  }
.LBB2_3:
0x41: {  	_ = 	snop  }
0x42: {  	p1 =	sne.s32 s9, $0x30C0;
	s8 =	sadd.s32 $0x10, s8;
	s15 =	sadd.s32 $0x40, s15  }
0x43: {  	s10 =	smov.u32 s9;
	s9 =	sadd.s32 $0x140, s9;
	_ =	sdelay $0x1  }
0x44: {  	v0 =	vadd.bf16 v1, v0;
	_ =	sdelay $0x1  }
0x45: {  	s10 =	sshra.s32 s10, $0x2;
	[tilespmem:s12+$0x0] =	vst v0;
	s12 =	smov.u32 s8  }
0x46: {  	v0 =	vld [tilespmem:s10+$0x4E20]  }
0x47: {  	v1 =	vld [tilespmem:s10+$0x6720];
	_ =	sdelay $0x4  }
0x48: {  	v0 =	vadd.bf16 v1, v0;
	_ =	sdelay $0x1  }
0x49: {  	[tilespmem:s15+$0xFFFFFFE0] =	vst v0  }
0x4a: {  	v0 =	vld [tilespmem:s10+$0x4E30]  }
0x4b: {  	v1 =	vld [tilespmem:s10+$0x6730];
	_ =	sdelay $0x4  }
0x4c: {  	v0 =	vadd.bf16 v1, v0;
	_ =	sdelay $0x1  }
0x4d: {  	[tilespmem:s15+$0xFFFFFFF0] =	vst v0  }
0x4e: {  	v0 =	vld [tilespmem:s10+$0x4E40]  }
0x4f: {  	v1 =	vld [tilespmem:s10+$0x6740];
	_ =	sdelay $0x4  }
0x50: {  	v0 =	vadd.bf16 v1, v0;
	_ =	sdelay $0x1  }
0x51: {  	[tilespmem:s15+$0x0] =	vst v0  }
0x52: {  	v0 =	vld [tilespmem:s10+$0x4E50]  }
0x53: {  	v1 =	vld [tilespmem:s10+$0x6750];
	_ =	sdelay $0x4  }
.Ltmp0:
0x54: {  	v0 =	vadd.bf16 v1, v0;
	(pc) =	sbr.rel @p1 .LBB2_3-.Ltmp0, $4  }
0x55: {  	_ = 	snop  }
0x56: {  	[tilespmem:s15+$0x10] =	vst v0  }
0x57: {  	v0 =	vld [tilespmem:s10+$0x4E60]  }
0x58: {  	v1 =	vld [tilespmem:s10+$0x6760]  }
0x59: {  	_ =	sdelay $0x3  }
0x5a: {  	s8 =	sadd.s32 s4, s14;
	v0 =	vadd.bf16 v1, v0  }
0x5b: {  	s9 =	sshll.u32 s8, $0x3  }
0x5c: {  	s8 =	sshll.u32 s8, $0x1;
	s9 =	sadd.s32 s6, s9;
	[tilespmem:s12+$0x0] =	vst v0  }
0x5d: {  	[hbm4b:s9+s3] =	stream.linear.scatter [tilespmem:s20], [sflag:$0x5], $0xA00, $0x38;
	[tilespmem:$0x9920] =	vst v63  }
0x5e: {  	p1 =	seq.s32 s1, $0x7C;
	s8 =	sadd.s32 s7, s8  }
0x5f: {  	[hbm4b:s8+s3] =	stream.linear.scatter [tilespmem:s21], [sflag:$0x7], $0x280, $0x38;
	[tilespmem:$0x9920] =	vst v63  }
0x60: {  	s10 =	simm.s32 @!p1 $0x4E20;
	s9 =	simm.s32 @!p1 $0x28;
	s8 =	sadd.s32 @!p1 $0x50, s14  }
0x61: {  	[tilespmem:s10], [sflag:$0x1] =	stream.indirect.gather @!p1 [hbm4b:s2+s9], $0x50, s8, s9, $0xb8;
	[tilespmem:$0x9920] =	vst v63  }
0x62: {  	s8 =	sadd.s32 @!p1 $0x2760, s14;
	s10 =	simm.s32 @!p1 $0x6720  }
0x63: {  	[tilespmem:s10], [sflag:$0x3] =	stream.indirect.gather @!p1 [hbm4b:s5+s9], $0x50, s8, s9, $0xb8;
	[tilespmem:$0x9920] =	vst v63  }
0x64: {  	_ =	swait.ge [sflag:s22], $0xC80  }
0x65: {  	[sflag:s22] =	ssyncset.done $0x0  }
0x66: {  	[sflag:s22] =	ssyncadd.s32 $0xFFFFF380  }
0x67: {  	_ =	swait.ge [sflag:s23], $0xC80  }
0x68: {  	[sflag:s23] =	ssyncset.done $0x0  }
0x69: {  	s8 =	simm.s32 @!p0 $0x6;
	[sflag:s23] =	ssyncadd.s32 $0xFFFFF380  }
0x6a: {  	_ =	swait.ge @!p0 [sflag:s8], $0xA00  }
0x6b: {  	[sflag:s8] =	ssyncset.done @!p0 $0x0  }
0x6c: {  	[sflag:s8] =	ssyncadd.s32 @!p0 $0xFFFFF600;
	s8 =	simm.s32 @!p0 $0x8  }
0x6d: {  	_ =	swait.ge @!p0 [sflag:s8], $0x280  }
0x6e: {  	[sflag:s8] =	ssyncset.done @!p0 $0x0  }
0x6f: {  	s15 =	simm.s32 $0x0;
	[sflag:s8] =	ssyncadd.s32 @!p0 $0xFFFFFD80  }
0x70: {  	v0 =	vld [tilespmem:s15+$0x5AA0]  }
0x71: {  	v1 =	vld [tilespmem:s15+$0x73A0];
	_ =	sdelay $0x4  }
0x72: {  	v0 =	vadd.bf16 v1, v0  }
0x73: {  	s14 =	simm.s32 $0x8A40  }
0x74: {  	[tilespmem:s14+$0xFFFFFFE0] =	vst v0  }
0x75: {  	v0 =	vld [tilespmem:s15+$0x5AB0]  }
0x76: {  	v1 =	vld [tilespmem:s15+$0x73B0];
	_ =	sdelay $0x4  }
0x77: {  	v0 =	vadd.bf16 v1, v0;
	_ =	sdelay $0x1  }
0x78: {  	[tilespmem:s14+$0xFFFFFFF0] =	vst v0  }
0x79: {  	v0 =	vld [tilespmem:s15+$0x5AC0]  }
0x7a: {  	v1 =	vld [tilespmem:s15+$0x73C0];
	_ =	sdelay $0x4  }
0x7b: {  	v0 =	vadd.bf16 v1, v0;
	_ =	sdelay $0x1  }
0x7c: {  	[tilespmem:s14+$0x0] =	vst v0  }
0x7d: {  	v0 =	vld [tilespmem:s15+$0x5AD0]  }
0x7e: {  	v1 =	vld [tilespmem:s15+$0x73D0];
	_ =	sdelay $0x4  }
0x7f: {  	v0 =	vadd.bf16 v1, v0;
	_ =	sdelay $0x1  }
0x80: {  	[tilespmem:s14+$0x10] =	vst v0  }
0x81: {  	v0 =	vld [tilespmem:s15+$0x5AE0]  }
0x82: {  	s9 =	simm.s32 $0x140;
	s8 =	simm.s32 $0x96A0;
	v1 =	vld [tilespmem:s15+$0x73E0];
	s15 =	simm.s32 $0x96A0  }
.LBB2_5:
0x83: {  	_ = 	snop  }
0x84: {  	p0 =	sne.s32 s9, $0x30C0;
	s8 =	sadd.s32 $0x10, s8;
	s14 =	sadd.s32 $0x40, s14  }
0x85: {  	s10 =	smov.u32 s9;
	s9 =	sadd.s32 $0x140, s9;
	_ =	sdelay $0x1  }
0x86: {  	v0 =	vadd.bf16 v1, v0;
	_ =	sdelay $0x1  }
0x87: {  	s10 =	sshra.s32 s10, $0x2;
	[tilespmem:s15+$0x0] =	vst v0;
	s15 =	smov.u32 s8  }
0x88: {  	v0 =	vld [tilespmem:s10+$0x5AA0]  }
0x89: {  	v1 =	vld [tilespmem:s10+$0x73A0];
	_ =	sdelay $0x4  }
0x8a: {  	v0 =	vadd.bf16 v1, v0;
	_ =	sdelay $0x1  }
0x8b: {  	[tilespmem:s14+$0xFFFFFFE0] =	vst v0  }
0x8c: {  	v0 =	vld [tilespmem:s10+$0x5AB0]  }
0x8d: {  	v1 =	vld [tilespmem:s10+$0x73B0];
	_ =	sdelay $0x4  }
0x8e: {  	v0 =	vadd.bf16 v1, v0;
	_ =	sdelay $0x1  }
0x8f: {  	[tilespmem:s14+$0xFFFFFFF0] =	vst v0  }
0x90: {  	v0 =	vld [tilespmem:s10+$0x5AC0]  }
0x91: {  	v1 =	vld [tilespmem:s10+$0x73C0];
	_ =	sdelay $0x4  }
0x92: {  	v0 =	vadd.bf16 v1, v0;
	_ =	sdelay $0x1  }
0x93: {  	[tilespmem:s14+$0x0] =	vst v0  }
0x94: {  	v0 =	vld [tilespmem:s10+$0x5AD0]  }
0x95: {  	v1 =	vld [tilespmem:s10+$0x73D0];
	_ =	sdelay $0x4  }
.Ltmp1:
0x96: {  	v0 =	vadd.bf16 v1, v0;
	(pc) =	sbr.rel @p0 .LBB2_5-.Ltmp1, $4  }
0x97: {  	_ = 	snop  }
0x98: {  	[tilespmem:s14+$0x10] =	vst v0  }
0x99: {  	v0 =	vld [tilespmem:s10+$0x5AE0]  }
0x9a: {  	v1 =	vld [tilespmem:s10+$0x73E0]  }
0x9b: {  	_ =	sdelay $0x2  }
0x9c: {  	s0 =	sadd.s32 s4, s0;
	s1 =	sadd.s32 $0x1, s1  }
0x9d: {  	s8 =	sshll.u32 s0, $0x3;
	p0 =	sne.s32 s1, $0x7D;
	v0 =	vadd.bf16 v1, v0  }
.Ltmp2:
0x9e: {  	s0 =	sshll.u32 s0, $0x1;
	s8 =	sand.u32 $0xFFFFFC0, s8;
	(pc) =	sbr.rel @p0 .LBB2_2-.Ltmp2, $4  }
0x9f: {  	s0 =	sand.u32 $0xFFFFFF0, s0;
	s8 =	sadd.s32 s6, s8;
	[tilespmem:s15+$0x0] =	vst v0  }
0xa0: {  	[hbm4b:s8+s3] =	stream.linear.scatter [tilespmem:s24], [sflag:$0x6], $0xA00, $0x38;
	[tilespmem:$0x9920] =	vst v63  }
0xa1: {  	s0 =	sadd.s32 s7, s0  }
0xa2: {  	[hbm4b:s0+s3] =	stream.linear.scatter [tilespmem:s25], [sflag:$0x8], $0x280, $0x38;
	[tilespmem:$0x9920] =	vst v63  }
0xa3: {  	_ =	swait.ge [sflag:s26], $0xA00  }
0xa4: {  	[sflag:s26] =	ssyncset.done $0x0  }
0xa5: {  	[sflag:s26] =	ssyncadd.s32 $0xFFFFF600  }
0xa6: {  	_ =	swait.ge [sflag:s28], $0x280  }
0xa7: {  	[sflag:s28] =	ssyncset.done $0x0  }
0xa8: {  	[sflag:s28] =	ssyncadd.s32 $0xFFFFFD80  }
0xa9: {  	_ =	swait.ge [sflag:s29], $0xA00  }
0xaa: {  	[sflag:s29] =	ssyncset.done $0x0  }
0xab: {  	[sflag:s29] =	ssyncadd.s32 $0xFFFFF600  }
0xac: {  	_ =	swait.ge [sflag:s30], $0x280  }
0xad: {  	s31 =	sadd.s32 $0x1, s31;
	s0 =	rddreg [dreg:$0x5]  }
0xae: {  	p0 =	sne.s32 s31, s0  }
.Ltmp3:
0xaf: {  	_ = 	snop;
	(pc) =	sbr.rel @p0 .LBB2_1-.Ltmp3, $3  }
0xb0: {  	_ =	sdelay $0x1  }
0xb1: {  	[sflag:s30] =	ssyncset.done $0x0  }
0xb2: {  	[sflag:s30] =	ssyncadd.s32 $0xFFFFFD80  }
0xb3: {  	_ =	sfence.sel $0x180000  }
0xb4: {  	[bflag:$0x0] =	sbarrier.arrive $0xFFFF  }
0xb5: {  	_ =	strace $0x90000047  }
0xb6: {  	s0 =	stileid.u32;
	[bflag:$0x2] =	sbarrier.arrive $0xFFFF  }
0xb7: {  	p0 =	sne.s32 s0, $0x0;
	s0 =	rddreg [dreg:$0x2]  }
0xb8: {  	s0 =	sadd.s32 @!p0 $0x100000, s0  }
0xb9: {  	[sflag:s0] =	ssyncadd.tile.s32 @!p0 $0x1;
	_ =	shalt  }
.Lfunc_end2:
_tile_overlayer_lowered:
.L_overlay_start_2:
0xba: {  	(tag) =	ssettag $0x2  }
0xbb: {  	s0 =	rddreg [dreg:$0x0];
	s2 =	stileid.u32  }
0xbc: {  	s1 =	rddreg [dreg:$0x1];
	p0 =	sne.s32 s2, $0x0  }
0xbd: {  	s3 =	rddreg [dreg:$0x2];
	[bflag:$0x3] =	sbarrier.arrive $0xFFFF;
	s2 =	simm.s32 @!p0 $0x1C09  }
0xbe: {  	[timem:s3], [sflag:s2] =	dma.local @!p0 [hbm:s0], s1  }
0xbf: {  	s0 =	simm.s32 @!p0 $0x9  }
0xc0: {  	_ =	swait.ge @!p0 [sflag:s0], s1  }
0xc1: {  	s1 =	ssub.s32 @!p0 $0x0, s1;
	[sflag:s0] =	ssyncset.done @!p0 $0x0  }
0xc2: {  	[sflag:s0] =	ssyncadd.s32 @!p0 s1  }
0xc3: {  	[bflag:$0x3] =	sbarrier.arrive $0xFFFF  }
0xc4: {  	_ =	shalt  }

</sc_bundles>
